<compile_context>
chip_gen: v7x
topology: tpu7x:2x2x1
jax: 0.10.2.dev20260603
libtpu: 0.0.44.dev20260713+nightly
codegen_flags: <defaults>
</compile_context>

<pallas_src>
import functools

import jax
import jax.numpy as jnp
from jax import lax
from jax.experimental import pallas as pl
from jax.experimental.pallas import tpu as pltpu
from jax.experimental.pallas import tpu_sc as plsc

_NUM_CORES = 2
_NUM_SUBCORES = 16
_NW = _NUM_CORES * _NUM_SUBCORES


@functools.lru_cache(maxsize=None)
def _build(n_tokens: int, vocab: int, chunk: int, nbuf: int):
    assert n_tokens % _NW == 0
    b_per_w = n_tokens // _NW
    assert b_per_w % chunk == 0 and chunk % 16 == 0
    n_chunks = b_per_w // chunk
    assert n_chunks >= nbuf

    mesh = plsc.VectorSubcoreMesh(core_axis_name="c", subcore_axis_name="s")

    scratch = (
        [pltpu.VMEM_SHARED((vocab,), jnp.float32)]
        + [pltpu.VMEM((chunk,), jnp.int32) for _ in range(nbuf)]
        + [pltpu.VMEM((chunk,), jnp.float32) for _ in range(nbuf)]
        + [pltpu.SemaphoreType.DMA for _ in range(2 * nbuf)]
    )

    @functools.partial(
        pl.kernel,
        mesh=mesh,
        out_type=jax.ShapeDtypeStruct((n_tokens,), jnp.float32),
        scratch_types=scratch,
    )
    def k(ids_hbm, table_hbm, out_hbm, table_sh, *bufs):
        idx_bufs = bufs[:nbuf]
        row_bufs = bufs[nbuf : 2 * nbuf]
        gsems = bufs[2 * nbuf : 3 * nbuf]
        ssems = bufs[3 * nbuf :]

        sid = lax.axis_index("s")
        wid = sid * _NUM_CORES + lax.axis_index("c")
        base = wid * b_per_w

        @pl.when(sid == 0)
        def _():
            pltpu.async_copy(table_hbm, table_sh, gsems[0])

        for b in range(nbuf):
            pltpu.sync_copy(ids_hbm.at[pl.ds(base + b * chunk, chunk)], idx_bufs[b])

        @pl.when(sid == 0)
        def _():
            pltpu.make_async_copy(table_hbm, table_sh, gsems[0]).wait()

        plsc.subcore_barrier()

        gathers = [None] * nbuf
        stores = [None] * nbuf
        for i in range(n_chunks):
            b = i % nbuf
            if i >= nbuf:
                stores[b].wait()
                pltpu.sync_copy(
                    ids_hbm.at[pl.ds(base + i * chunk, chunk)], idx_bufs[b]
                )
            gathers[b] = pltpu.async_copy(
                table_sh.at[idx_bufs[b]], row_bufs[b], gsems[b]
            )
            if i >= nbuf - 1:
                ob = (i - (nbuf - 1)) % nbuf
                oi = i - (nbuf - 1)
                gathers[ob].wait()
                stores[ob] = pltpu.async_copy(
                    row_bufs[ob], out_hbm.at[pl.ds(base + oi * chunk, chunk)], ssems[ob]
                )
        for j in range(n_chunks - (nbuf - 1), n_chunks):
            b = j % nbuf
            gathers[b].wait()
            stores[b] = pltpu.async_copy(
                row_bufs[b], out_hbm.at[pl.ds(base + j * chunk, chunk)], ssems[b]
            )
        for j in range(max(0, n_chunks - nbuf), n_chunks):
            stores[j % nbuf].wait()

    return k


def kernel(token_ids, token_weights):
    n_tokens = token_ids.shape[0]
    vocab = token_weights.shape[0]
    return _build(n_tokens, vocab, 10240, 3)(token_ids, token_weights)

# --- scband reference (transcript-rebuilt; emitter-appended) ---
"""Pipeline reference for scband-vocab-lookup-weighter-35639638622823 (READ-ONLY COPY).

The authoritative reference and input builder live on the scoring server;
editing this copy changes nothing except your own understanding.
"""

import jax, jax.numpy as jnp
import numpy as np

VOCAB = 1000000
N_TOKENS = 3276800

def setup_inputs(seed: int = 0) -> dict:
    key = jax.random.key(seed)
    k1, k2 = jax.random.split(key)
    token_ids = jax.random.randint(k1, (N_TOKENS,), 0, VOCAB, dtype=jnp.int32)
    # learned parameter: token_weights = ones(vocab) * init_weight (init_weight=1.0)
    token_weights = jnp.ones((VOCAB,), dtype=jnp.float32) * 1.0
    return {"token_ids": token_ids, "token_weights": token_weights}

def reference(token_ids, token_weights):
    # Faithful translation of VocabLookupWeighter.forward:
    # weights = ones_like(token_ids); weights[valid_mask] = token_weights[valid_indices]
    vocab = token_weights.shape[0]
    valid_mask = (token_ids >= 0) & (token_ids < vocab)
    safe_ids = jnp.clip(token_ids, 0, vocab - 1)
    gathered = jnp.take(token_weights, safe_ids, axis=0)
    weights = jnp.where(valid_mask, gathered, jnp.ones_like(gathered))
    return weights

if __name__ == "__main__":
    import jax
    _d = setup_inputs()
    print(jax.jit(kernel)(*tuple(_d.values())))

</pallas_src>

<mosaic_0001>
#map = affine_map<(d0, d1) -> (0)>
module attributes {stable_mosaic.version = 14 : i64} {
  func.func @k(%arg0: i32, %arg1: i32, %arg2: memref<3276800xi32, #tpu.memory_space<hbm>>, %arg3: memref<1000000xf32, #tpu.memory_space<hbm>>, %arg4: memref<3276800xf32, #tpu.memory_space<hbm>>, %arg5: memref<1000000xf32, #tpu.memory_space<vmem_shared>>, %arg6: memref<10240xi32, #tpu.memory_space<vmem>>, %arg7: memref<10240xi32, #tpu.memory_space<vmem>>, %arg8: memref<10240xi32, #tpu.memory_space<vmem>>, %arg9: memref<10240xf32, #tpu.memory_space<vmem>>, %arg10: memref<10240xf32, #tpu.memory_space<vmem>>, %arg11: memref<10240xf32, #tpu.memory_space<vmem>>, %arg12: memref<!tpu.dma_semaphore, #tpu.memory_space<semaphore_mem>>, %arg13: memref<!tpu.dma_semaphore, #tpu.memory_space<semaphore_mem>>, %arg14: memref<!tpu.dma_semaphore, #tpu.memory_space<semaphore_mem>>, %arg15: memref<!tpu.dma_semaphore, #tpu.memory_space<semaphore_mem>>, %arg16: memref<!tpu.dma_semaphore, #tpu.memory_space<semaphore_mem>>, %arg17: memref<!tpu.dma_semaphore, #tpu.memory_space<semaphore_mem>>) attributes {dimension_semantics = [#tpu.dimension_semantics<core_parallel>, #tpu.dimension_semantics<subcore_parallel>], iteration_bounds = array<i64: 2, 16>, scalar_prefetch = 0 : i64, scratch_operands = 13 : i64, tpu.core_type = #tpu.core_type<sc_vector_subcore>, window_params = [{transform_indices = #map}, {transform_indices = #map}, {transform_indices = #map}]} {
    %mul3A = arith.constant 2 : i32
    %mul3A_0 = arith.muli %arg1, %mul3A : i32
    %add3A = arith.addi %mul3A_0, %arg0 : i32
    %mul3A_1 = arith.constant 102400 : i32
    %mul3A_2 = arith.muli %add3A, %mul3A_1 : i32
    %eq3A = arith.constant 0 : i32
    %eq3A_3 = arith.cmpi eq, %arg1, %eq3A : i32
    %convert_element_type3A = arith.extui %eq3A_3 : i1 to i32
    %cond3A = arith.constant 0 : i32
    %cond3A_4 = arith.cmpi ne, %convert_element_type3A, %cond3A : i32
    scf.if %cond3A_4 {
      tpu.enqueue_dma source(%arg3 : memref<1000000xf32, #tpu.memory_space<hbm>>) target(%arg5 : memref<1000000xf32, #tpu.memory_space<vmem_shared>>) target_semaphore(%arg12 : memref<!tpu.dma_semaphore, #tpu.memory_space<semaphore_mem>>)
    } else {
    }
    %add3A_5 = arith.constant 0 : i32
    %add3A_6 = arith.addi %mul3A_2, %add3A_5 : i32
    "tpu.region"() ({
      %run_scoped3A = tpu.sem_alloc : memref<!tpu.dma_semaphore, #tpu.memory_space<semaphore_mem>>
      %dma_start3A_128 = tpu.memref_slice %arg2[%add3A_6] : memref<3276800xi32, #tpu.memory_space<hbm>> -> memref<10240xi32, #tpu.memory_space<hbm>>
      %dma_start3A_129 = tpu.memref_slice %arg2[%add3A_6] : memref<3276800xi32, #tpu.memory_space<hbm>> -> memref<10240xi32, #tpu.memory_space<hbm>>
      tpu.enqueue_dma source(%dma_start3A_129 : memref<10240xi32, #tpu.memory_space<hbm>>) target(%arg6 : memref<10240xi32, #tpu.memory_space<vmem>>) target_semaphore(%run_scoped3A : memref<!tpu.dma_semaphore, #tpu.memory_space<semaphore_mem>>)
      %dma_wait3A_130 = tpu.memref_slice %arg2[%add3A_6] : memref<3276800xi32, #tpu.memory_space<hbm>> -> memref<10240xi32, #tpu.memory_space<hbm>>
      %dma_wait3A_131 = tpu.memref_slice %arg2[%add3A_6] : memref<3276800xi32, #tpu.memory_space<hbm>> -> memref<10240xi32, #tpu.memory_space<hbm>>
      tpu.wait_dma2 semaphore(%run_scoped3A : memref<!tpu.dma_semaphore, #tpu.memory_space<semaphore_mem>>) src(%dma_wait3A_131 : memref<10240xi32, #tpu.memory_space<hbm>>) dst(%arg6 : memref<10240xi32, #tpu.memory_space<vmem>>)
      tpu.yield
    }) : () -> ()
    %add3A_7 = arith.constant 10240 : i32
    %add3A_8 = arith.addi %mul3A_2, %add3A_7 : i32
    "tpu.region"() ({
      %run_scoped3A = tpu.sem_alloc : memref<!tpu.dma_semaphore, #tpu.memory_space<semaphore_mem>>
      %dma_start3A_128 = tpu.memref_slice %arg2[%add3A_8] : memref<3276800xi32, #tpu.memory_space<hbm>> -> memref<10240xi32, #tpu.memory_space<hbm>>
      %dma_start3A_129 = tpu.memref_slice %arg2[%add3A_8] : memref<3276800xi32, #tpu.memory_space<hbm>> -> memref<10240xi32, #tpu.memory_space<hbm>>
      tpu.enqueue_dma source(%dma_start3A_129 : memref<10240xi32, #tpu.memory_space<hbm>>) target(%arg7 : memref<10240xi32, #tpu.memory_space<vmem>>) target_semaphore(%run_scoped3A : memref<!tpu.dma_semaphore, #tpu.memory_space<semaphore_mem>>)
      %dma_wait3A_130 = tpu.memref_slice %arg2[%add3A_8] : memref<3276800xi32, #tpu.memory_space<hbm>> -> memref<10240xi32, #tpu.memory_space<hbm>>
      %dma_wait3A_131 = tpu.memref_slice %arg2[%add3A_8] : memref<3276800xi32, #tpu.memory_space<hbm>> -> memref<10240xi32, #tpu.memory_space<hbm>>
      tpu.wait_dma2 semaphore(%run_scoped3A : memref<!tpu.dma_semaphore, #tpu.memory_space<semaphore_mem>>) src(%dma_wait3A_131 : memref<10240xi32, #tpu.memory_space<hbm>>) dst(%arg7 : memref<10240xi32, #tpu.memory_space<vmem>>)
      tpu.yield
    }) : () -> ()
    %add3A_9 = arith.constant 20480 : i32
    %add3A_10 = arith.addi %mul3A_2, %add3A_9 : i32
    "tpu.region"() ({
      %run_scoped3A = tpu.sem_alloc : memref<!tpu.dma_semaphore, #tpu.memory_space<semaphore_mem>>
      %dma_start3A_128 = tpu.memref_slice %arg2[%add3A_10] : memref<3276800xi32, #tpu.memory_space<hbm>> -> memref<10240xi32, #tpu.memory_space<hbm>>
      %dma_start3A_129 = tpu.memref_slice %arg2[%add3A_10] : memref<3276800xi32, #tpu.memory_space<hbm>> -> memref<10240xi32, #tpu.memory_space<hbm>>
      tpu.enqueue_dma source(%dma_start3A_129 : memref<10240xi32, #tpu.memory_space<hbm>>) target(%arg8 : memref<10240xi32, #tpu.memory_space<vmem>>) target_semaphore(%run_scoped3A : memref<!tpu.dma_semaphore, #tpu.memory_space<semaphore_mem>>)
      %dma_wait3A_130 = tpu.memref_slice %arg2[%add3A_10] : memref<3276800xi32, #tpu.memory_space<hbm>> -> memref<10240xi32, #tpu.memory_space<hbm>>
      %dma_wait3A_131 = tpu.memref_slice %arg2[%add3A_10] : memref<3276800xi32, #tpu.memory_space<hbm>> -> memref<10240xi32, #tpu.memory_space<hbm>>
      tpu.wait_dma2 semaphore(%run_scoped3A : memref<!tpu.dma_semaphore, #tpu.memory_space<semaphore_mem>>) src(%dma_wait3A_131 : memref<10240xi32, #tpu.memory_space<hbm>>) dst(%arg8 : memref<10240xi32, #tpu.memory_space<vmem>>)
      tpu.yield
    }) : () -> ()
    %eq3A_11 = arith.constant 0 : i32
    %eq3A_12 = arith.cmpi eq, %arg1, %eq3A_11 : i32
    %convert_element_type3A_13 = arith.extui %eq3A_12 : i1 to i32
    %cond3A_14 = arith.constant 0 : i32
    %cond3A_15 = arith.cmpi ne, %convert_element_type3A_13, %cond3A_14 : i32
    scf.if %cond3A_15 {
      tpu.wait_dma2 semaphore(%arg12 : memref<!tpu.dma_semaphore, #tpu.memory_space<semaphore_mem>>) src(%arg3 : memref<1000000xf32, #tpu.memory_space<hbm>>) dst(%arg5 : memref<1000000xf32, #tpu.memory_space<vmem_shared>>)
    } else {
    }
    %barrier3A = arith.constant 0 : index
    tpu.barrier barrier_id(%barrier3A)
    %dma_start3A = arith.constant 0 : i32
    %dma_start3A_16 = tpu.memref_slice %arg5[%dma_start3A] : memref<1000000xf32, #tpu.memory_space<vmem_shared>> -> memref<1000000xf32, #tpu.memory_space<vmem_shared>>
    tpu.enqueue_indirect_dma source(%dma_start3A_16 : memref<1000000xf32, #tpu.memory_space<vmem_shared>>) target(%arg9 : memref<10240xf32, #tpu.memory_space<vmem>>) offsets(%arg6 : memref<10240xi32, #tpu.memory_space<vmem>>) semaphore(%arg12 : memref<!tpu.dma_semaphore, #tpu.memory_space<semaphore_mem>>)
    %dma_start3A_17 = arith.constant 0 : i32
    %dma_start3A_18 = tpu.memref_slice %arg5[%dma_start3A_17] : memref<1000000xf32, #tpu.memory_space<vmem_shared>> -> memref<1000000xf32, #tpu.memory_space<vmem_shared>>
    tpu.enqueue_indirect_dma source(%dma_start3A_18 : memref<1000000xf32, #tpu.memory_space<vmem_shared>>) target(%arg10 : memref<10240xf32, #tpu.memory_space<vmem>>) offsets(%arg7 : memref<10240xi32, #tpu.memory_space<vmem>>) semaphore(%arg13 : memref<!tpu.dma_semaphore, #tpu.memory_space<semaphore_mem>>)
    %dma_start3A_19 = arith.constant 0 : i32
    %dma_start3A_20 = tpu.memref_slice %arg5[%dma_start3A_19] : memref<1000000xf32, #tpu.memory_space<vmem_shared>> -> memref<1000000xf32, #tpu.memory_space<vmem_shared>>
    tpu.enqueue_indirect_dma source(%dma_start3A_20 : memref<1000000xf32, #tpu.memory_space<vmem_shared>>) target(%arg11 : memref<10240xf32, #tpu.memory_space<vmem>>) offsets(%arg8 : memref<10240xi32, #tpu.memory_space<vmem>>) semaphore(%arg14 : memref<!tpu.dma_semaphore, #tpu.memory_space<semaphore_mem>>)
    %dma_wait3A = arith.constant 0 : i32
    %dma_wait3A_21 = tpu.memref_slice %arg5[%dma_wait3A] : memref<1000000xf32, #tpu.memory_space<vmem_shared>> -> memref<1000000xf32, #tpu.memory_space<vmem_shared>>
    tpu.wait_indirect_dma semaphore(%arg12 : memref<!tpu.dma_semaphore, #tpu.memory_space<semaphore_mem>>) src(%dma_wait3A_21 : memref<1000000xf32, #tpu.memory_space<vmem_shared>>) dst(%arg9 : memref<10240xf32, #tpu.memory_space<vmem>>)
    %add3A_22 = arith.constant 0 : i32
    %add3A_23 = arith.addi %mul3A_2, %add3A_22 : i32
    %dma_start3A_24 = tpu.memref_slice %arg4[%add3A_23] : memref<3276800xf32, #tpu.memory_space<hbm>> -> memref<10240xf32, #tpu.memory_space<hbm>>
    %dma_start3A_25 = tpu.memref_slice %arg4[%add3A_23] : memref<3276800xf32, #tpu.memory_space<hbm>> -> memref<10240xf32, #tpu.memory_space<hbm>>
    tpu.enqueue_dma source(%arg9 : memref<10240xf32, #tpu.memory_space<vmem>>) target(%dma_start3A_25 : memref<10240xf32, #tpu.memory_space<hbm>>) target_semaphore(%arg15 : memref<!tpu.dma_semaphore, #tpu.memory_space<semaphore_mem>>)
    %dma_wait3A_26 = tpu.memref_slice %arg4[%add3A_23] : memref<3276800xf32, #tpu.memory_space<hbm>> -> memref<10240xf32, #tpu.memory_space<hbm>>
    %dma_wait3A_27 = tpu.memref_slice %arg4[%add3A_23] : memref<3276800xf32, #tpu.memory_space<hbm>> -> memref<10240xf32, #tpu.memory_space<hbm>>
    tpu.wait_dma2 semaphore(%arg15 : memref<!tpu.dma_semaphore, #tpu.memory_space<semaphore_mem>>) src(%arg9 : memref<10240xf32, #tpu.memory_space<vmem>>) dst(%dma_wait3A_27 : memref<10240xf32, #tpu.memory_space<hbm>>)
    %add3A_28 = arith.constant 30720 : i32
    %add3A_29 = arith.addi %mul3A_2, %add3A_28 : i32
    "tpu.region"() ({
      %run_scoped3A = tpu.sem_alloc : memref<!tpu.dma_semaphore, #tpu.memory_space<semaphore_mem>>
      %dma_start3A_128 = tpu.memref_slice %arg2[%add3A_29] : memref<3276800xi32, #tpu.memory_space<hbm>> -> memref<10240xi32, #tpu.memory_space<hbm>>
      %dma_start3A_129 = tpu.memref_slice %arg2[%add3A_29] : memref<3276800xi32, #tpu.memory_space<hbm>> -> memref<10240xi32, #tpu.memory_space<hbm>>
      tpu.enqueue_dma source(%dma_start3A_129 : memref<10240xi32, #tpu.memory_space<hbm>>) target(%arg6 : memref<10240xi32, #tpu.memory_space<vmem>>) target_semaphore(%run_scoped3A : memref<!tpu.dma_semaphore, #tpu.memory_space<semaphore_mem>>)
      %dma_wait3A_130 = tpu.memref_slice %arg2[%add3A_29] : memref<3276800xi32, #tpu.memory_space<hbm>> -> memref<10240xi32, #tpu.memory_space<hbm>>
      %dma_wait3A_131 = tpu.memref_slice %arg2[%add3A_29] : memref<3276800xi32, #tpu.memory_space<hbm>> -> memref<10240xi32, #tpu.memory_space<hbm>>
      tpu.wait_dma2 semaphore(%run_scoped3A : memref<!tpu.dma_semaphore, #tpu.memory_space<semaphore_mem>>) src(%dma_wait3A_131 : memref<10240xi32, #tpu.memory_space<hbm>>) dst(%arg6 : memref<10240xi32, #tpu.memory_space<vmem>>)
      tpu.yield
    }) : () -> ()
    %dma_start3A_30 = arith.constant 0 : i32
    %dma_start3A_31 = tpu.memref_slice %arg5[%dma_start3A_30] : memref<1000000xf32, #tpu.memory_space<vmem_shared>> -> memref<1000000xf32, #tpu.memory_space<vmem_shared>>
    tpu.enqueue_indirect_dma source(%dma_start3A_31 : memref<1000000xf32, #tpu.memory_space<vmem_shared>>) target(%arg9 : memref<10240xf32, #tpu.memory_space<vmem>>) offsets(%arg6 : memref<10240xi32, #tpu.memory_space<vmem>>) semaphore(%arg12 : memref<!tpu.dma_semaphore, #tpu.memory_space<semaphore_mem>>)
    %dma_wait3A_32 = arith.constant 0 : i32
    %dma_wait3A_33 = tpu.memref_slice %arg5[%dma_wait3A_32] : memref<1000000xf32, #tpu.memory_space<vmem_shared>> -> memref<1000000xf32, #tpu.memory_space<vmem_shared>>
    tpu.wait_indirect_dma semaphore(%arg13 : memref<!tpu.dma_semaphore, #tpu.memory_space<semaphore_mem>>) src(%dma_wait3A_33 : memref<1000000xf32, #tpu.memory_space<vmem_shared>>) dst(%arg10 : memref<10240xf32, #tpu.memory_space<vmem>>)
    %add3A_34 = arith.constant 10240 : i32
    %add3A_35 = arith.addi %mul3A_2, %add3A_34 : i32
    %dma_start3A_36 = tpu.memref_slice %arg4[%add3A_35] : memref<3276800xf32, #tpu.memory_space<hbm>> -> memref<10240xf32, #tpu.memory_space<hbm>>
    %dma_start3A_37 = tpu.memref_slice %arg4[%add3A_35] : memref<3276800xf32, #tpu.memory_space<hbm>> -> memref<10240xf32, #tpu.memory_space<hbm>>
    tpu.enqueue_dma source(%arg10 : memref<10240xf32, #tpu.memory_space<vmem>>) target(%dma_start3A_37 : memref<10240xf32, #tpu.memory_space<hbm>>) target_semaphore(%arg16 : memref<!tpu.dma_semaphore, #tpu.memory_space<semaphore_mem>>)
    %dma_wait3A_38 = tpu.memref_slice %arg4[%add3A_35] : memref<3276800xf32, #tpu.memory_space<hbm>> -> memref<10240xf32, #tpu.memory_space<hbm>>
    %dma_wait3A_39 = tpu.memref_slice %arg4[%add3A_35] : memref<3276800xf32, #tpu.memory_space<hbm>> -> memref<10240xf32, #tpu.memory_space<hbm>>
    tpu.wait_dma2 semaphore(%arg16 : memref<!tpu.dma_semaphore, #tpu.memory_space<semaphore_mem>>) src(%arg10 : memref<10240xf32, #tpu.memory_space<vmem>>) dst(%dma_wait3A_39 : memref<10240xf32, #tpu.memory_space<hbm>>)
    %add3A_40 = arith.constant 40960 : i32
    %add3A_41 = arith.addi %mul3A_2, %add3A_40 : i32
    "tpu.region"() ({
      %run_scoped3A = tpu.sem_alloc : memref<!tpu.dma_semaphore, #tpu.memory_space<semaphore_mem>>
      %dma_start3A_128 = tpu.memref_slice %arg2[%add3A_41] : memref<3276800xi32, #tpu.memory_space<hbm>> -> memref<10240xi32, #tpu.memory_space<hbm>>
      %dma_start3A_129 = tpu.memref_slice %arg2[%add3A_41] : memref<3276800xi32, #tpu.memory_space<hbm>> -> memref<10240xi32, #tpu.memory_space<hbm>>
      tpu.enqueue_dma source(%dma_start3A_129 : memref<10240xi32, #tpu.memory_space<hbm>>) target(%arg7 : memref<10240xi32, #tpu.memory_space<vmem>>) target_semaphore(%run_scoped3A : memref<!tpu.dma_semaphore, #tpu.memory_space<semaphore_mem>>)
      %dma_wait3A_130 = tpu.memref_slice %arg2[%add3A_41] : memref<3276800xi32, #tpu.memory_space<hbm>> -> memref<10240xi32, #tpu.memory_space<hbm>>
      %dma_wait3A_131 = tpu.memref_slice %arg2[%add3A_41] : memref<3276800xi32, #tpu.memory_space<hbm>> -> memref<10240xi32, #tpu.memory_space<hbm>>
      tpu.wait_dma2 semaphore(%run_scoped3A : memref<!tpu.dma_semaphore, #tpu.memory_space<semaphore_mem>>) src(%dma_wait3A_131 : memref<10240xi32, #tpu.memory_space<hbm>>) dst(%arg7 : memref<10240xi32, #tpu.memory_space<vmem>>)
      tpu.yield
    }) : () -> ()
    %dma_start3A_42 = arith.constant 0 : i32
    %dma_start3A_43 = tpu.memref_slice %arg5[%dma_start3A_42] : memref<1000000xf32, #tpu.memory_space<vmem_shared>> -> memref<1000000xf32, #tpu.memory_space<vmem_shared>>
    tpu.enqueue_indirect_dma source(%dma_start3A_43 : memref<1000000xf32, #tpu.memory_space<vmem_shared>>) target(%arg10 : memref<10240xf32, #tpu.memory_space<vmem>>) offsets(%arg7 : memref<10240xi32, #tpu.memory_space<vmem>>) semaphore(%arg13 : memref<!tpu.dma_semaphore, #tpu.memory_space<semaphore_mem>>)
    %dma_wait3A_44 = arith.constant 0 : i32
    %dma_wait3A_45 = tpu.memref_slice %arg5[%dma_wait3A_44] : memref<1000000xf32, #tpu.memory_space<vmem_shared>> -> memref<1000000xf32, #tpu.memory_space<vmem_shared>>
    tpu.wait_indirect_dma semaphore(%arg14 : memref<!tpu.dma_semaphore, #tpu.memory_space<semaphore_mem>>) src(%dma_wait3A_45 : memref<1000000xf32, #tpu.memory_space<vmem_shared>>) dst(%arg11 : memref<10240xf32, #tpu.memory_space<vmem>>)
    %add3A_46 = arith.constant 20480 : i32
    %add3A_47 = arith.addi %mul3A_2, %add3A_46 : i32
    %dma_start3A_48 = tpu.memref_slice %arg4[%add3A_47] : memref<3276800xf32, #tpu.memory_space<hbm>> -> memref<10240xf32, #tpu.memory_space<hbm>>
    %dma_start3A_49 = tpu.memref_slice %arg4[%add3A_47] : memref<3276800xf32, #tpu.memory_space<hbm>> -> memref<10240xf32, #tpu.memory_space<hbm>>
    tpu.enqueue_dma source(%arg11 : memref<10240xf32, #tpu.memory_space<vmem>>) target(%dma_start3A_49 : memref<10240xf32, #tpu.memory_space<hbm>>) target_semaphore(%arg17 : memref<!tpu.dma_semaphore, #tpu.memory_space<semaphore_mem>>)
    %dma_wait3A_50 = tpu.memref_slice %arg4[%add3A_47] : memref<3276800xf32, #tpu.memory_space<hbm>> -> memref<10240xf32, #tpu.memory_space<hbm>>
    %dma_wait3A_51 = tpu.memref_slice %arg4[%add3A_47] : memref<3276800xf32, #tpu.memory_space<hbm>> -> memref<10240xf32, #tpu.memory_space<hbm>>
    tpu.wait_dma2 semaphore(%arg17 : memref<!tpu.dma_semaphore, #tpu.memory_space<semaphore_mem>>) src(%arg11 : memref<10240xf32, #tpu.memory_space<vmem>>) dst(%dma_wait3A_51 : memref<10240xf32, #tpu.memory_space<hbm>>)
    %add3A_52 = arith.constant 51200 : i32
    %add3A_53 = arith.addi %mul3A_2, %add3A_52 : i32
    "tpu.region"() ({
      %run_scoped3A = tpu.sem_alloc : memref<!tpu.dma_semaphore, #tpu.memory_space<semaphore_mem>>
      %dma_start3A_128 = tpu.memref_slice %arg2[%add3A_53] : memref<3276800xi32, #tpu.memory_space<hbm>> -> memref<10240xi32, #tpu.memory_space<hbm>>
      %dma_start3A_129 = tpu.memref_slice %arg2[%add3A_53] : memref<3276800xi32, #tpu.memory_space<hbm>> -> memref<10240xi32, #tpu.memory_space<hbm>>
      tpu.enqueue_dma source(%dma_start3A_129 : memref<10240xi32, #tpu.memory_space<hbm>>) target(%arg8 : memref<10240xi32, #tpu.memory_space<vmem>>) target_semaphore(%run_scoped3A : memref<!tpu.dma_semaphore, #tpu.memory_space<semaphore_mem>>)
      %dma_wait3A_130 = tpu.memref_slice %arg2[%add3A_53] : memref<3276800xi32, #tpu.memory_space<hbm>> -> memref<10240xi32, #tpu.memory_space<hbm>>
      %dma_wait3A_131 = tpu.memref_slice %arg2[%add3A_53] : memref<3276800xi32, #tpu.memory_space<hbm>> -> memref<10240xi32, #tpu.memory_space<hbm>>
      tpu.wait_dma2 semaphore(%run_scoped3A : memref<!tpu.dma_semaphore, #tpu.memory_space<semaphore_mem>>) src(%dma_wait3A_131 : memref<10240xi32, #tpu.memory_space<hbm>>) dst(%arg8 : memref<10240xi32, #tpu.memory_space<vmem>>)
      tpu.yield
    }) : () -> ()
    %dma_start3A_54 = arith.constant 0 : i32
    %dma_start3A_55 = tpu.memref_slice %arg5[%dma_start3A_54] : memref<1000000xf32, #tpu.memory_space<vmem_shared>> -> memref<1000000xf32, #tpu.memory_space<vmem_shared>>
    tpu.enqueue_indirect_dma source(%dma_start3A_55 : memref<1000000xf32, #tpu.memory_space<vmem_shared>>) target(%arg11 : memref<10240xf32, #tpu.memory_space<vmem>>) offsets(%arg8 : memref<10240xi32, #tpu.memory_space<vmem>>) semaphore(%arg14 : memref<!tpu.dma_semaphore, #tpu.memory_space<semaphore_mem>>)
    %dma_wait3A_56 = arith.constant 0 : i32
    %dma_wait3A_57 = tpu.memref_slice %arg5[%dma_wait3A_56] : memref<1000000xf32, #tpu.memory_space<vmem_shared>> -> memref<1000000xf32, #tpu.memory_space<vmem_shared>>
    tpu.wait_indirect_dma semaphore(%arg12 : memref<!tpu.dma_semaphore, #tpu.memory_space<semaphore_mem>>) src(%dma_wait3A_57 : memref<1000000xf32, #tpu.memory_space<vmem_shared>>) dst(%arg9 : memref<10240xf32, #tpu.memory_space<vmem>>)
    %add3A_58 = arith.constant 30720 : i32
    %add3A_59 = arith.addi %mul3A_2, %add3A_58 : i32
    %dma_start3A_60 = tpu.memref_slice %arg4[%add3A_59] : memref<3276800xf32, #tpu.memory_space<hbm>> -> memref<10240xf32, #tpu.memory_space<hbm>>
    %dma_start3A_61 = tpu.memref_slice %arg4[%add3A_59] : memref<3276800xf32, #tpu.memory_space<hbm>> -> memref<10240xf32, #tpu.memory_space<hbm>>
    tpu.enqueue_dma source(%arg9 : memref<10240xf32, #tpu.memory_space<vmem>>) target(%dma_start3A_61 : memref<10240xf32, #tpu.memory_space<hbm>>) target_semaphore(%arg15 : memref<!tpu.dma_semaphore, #tpu.memory_space<semaphore_mem>>)
    %dma_wait3A_62 = tpu.memref_slice %arg4[%add3A_59] : memref<3276800xf32, #tpu.memory_space<hbm>> -> memref<10240xf32, #tpu.memory_space<hbm>>
    %dma_wait3A_63 = tpu.memref_slice %arg4[%add3A_59] : memref<3276800xf32, #tpu.memory_space<hbm>> -> memref<10240xf32, #tpu.memory_space<hbm>>
    tpu.wait_dma2 semaphore(%arg15 : memref<!tpu.dma_semaphore, #tpu.memory_space<semaphore_mem>>) src(%arg9 : memref<10240xf32, #tpu.memory_space<vmem>>) dst(%dma_wait3A_63 : memref<10240xf32, #tpu.memory_space<hbm>>)
    %add3A_64 = arith.constant 61440 : i32
    %add3A_65 = arith.addi %mul3A_2, %add3A_64 : i32
    "tpu.region"() ({
      %run_scoped3A = tpu.sem_alloc : memref<!tpu.dma_semaphore, #tpu.memory_space<semaphore_mem>>
      %dma_start3A_128 = tpu.memref_slice %arg2[%add3A_65] : memref<3276800xi32, #tpu.memory_space<hbm>> -> memref<10240xi32, #tpu.memory_space<hbm>>
      %dma_start3A_129 = tpu.memref_slice %arg2[%add3A_65] : memref<3276800xi32, #tpu.memory_space<hbm>> -> memref<10240xi32, #tpu.memory_space<hbm>>
      tpu.enqueue_dma source(%dma_start3A_129 : memref<10240xi32, #tpu.memory_space<hbm>>) target(%arg6 : memref<10240xi32, #tpu.memory_space<vmem>>) target_semaphore(%run_scoped3A : memref<!tpu.dma_semaphore, #tpu.memory_space<semaphore_mem>>)
      %dma_wait3A_130 = tpu.memref_slice %arg2[%add3A_65] : memref<3276800xi32, #tpu.memory_space<hbm>> -> memref<10240xi32, #tpu.memory_space<hbm>>
      %dma_wait3A_131 = tpu.memref_slice %arg2[%add3A_65] : memref<3276800xi32, #tpu.memory_space<hbm>> -> memref<10240xi32, #tpu.memory_space<hbm>>
      tpu.wait_dma2 semaphore(%run_scoped3A : memref<!tpu.dma_semaphore, #tpu.memory_space<semaphore_mem>>) src(%dma_wait3A_131 : memref<10240xi32, #tpu.memory_space<hbm>>) dst(%arg6 : memref<10240xi32, #tpu.memory_space<vmem>>)
      tpu.yield
    }) : () -> ()
    %dma_start3A_66 = arith.constant 0 : i32
    %dma_start3A_67 = tpu.memref_slice %arg5[%dma_start3A_66] : memref<1000000xf32, #tpu.memory_space<vmem_shared>> -> memref<1000000xf32, #tpu.memory_space<vmem_shared>>
    tpu.enqueue_indirect_dma source(%dma_start3A_67 : memref<1000000xf32, #tpu.memory_space<vmem_shared>>) target(%arg9 : memref<10240xf32, #tpu.memory_space<vmem>>) offsets(%arg6 : memref<10240xi32, #tpu.memory_space<vmem>>) semaphore(%arg12 : memref<!tpu.dma_semaphore, #tpu.memory_space<semaphore_mem>>)
    %dma_wait3A_68 = arith.constant 0 : i32
    %dma_wait3A_69 = tpu.memref_slice %arg5[%dma_wait3A_68] : memref<1000000xf32, #tpu.memory_space<vmem_shared>> -> memref<1000000xf32, #tpu.memory_space<vmem_shared>>
    tpu.wait_indirect_dma semaphore(%arg13 : memref<!tpu.dma_semaphore, #tpu.memory_space<semaphore_mem>>) src(%dma_wait3A_69 : memref<1000000xf32, #tpu.memory_space<vmem_shared>>) dst(%arg10 : memref<10240xf32, #tpu.memory_space<vmem>>)
    %add3A_70 = arith.constant 40960 : i32
    %add3A_71 = arith.addi %mul3A_2, %add3A_70 : i32
    %dma_start3A_72 = tpu.memref_slice %arg4[%add3A_71] : memref<3276800xf32, #tpu.memory_space<hbm>> -> memref<10240xf32, #tpu.memory_space<hbm>>
    %dma_start3A_73 = tpu.memref_slice %arg4[%add3A_71] : memref<3276800xf32, #tpu.memory_space<hbm>> -> memref<10240xf32, #tpu.memory_space<hbm>>
    tpu.enqueue_dma source(%arg10 : memref<10240xf32, #tpu.memory_space<vmem>>) target(%dma_start3A_73 : memref<10240xf32, #tpu.memory_space<hbm>>) target_semaphore(%arg16 : memref<!tpu.dma_semaphore, #tpu.memory_space<semaphore_mem>>)
    %dma_wait3A_74 = tpu.memref_slice %arg4[%add3A_71] : memref<3276800xf32, #tpu.memory_space<hbm>> -> memref<10240xf32, #tpu.memory_space<hbm>>
    %dma_wait3A_75 = tpu.memref_slice %arg4[%add3A_71] : memref<3276800xf32, #tpu.memory_space<hbm>> -> memref<10240xf32, #tpu.memory_space<hbm>>
    tpu.wait_dma2 semaphore(%arg16 : memref<!tpu.dma_semaphore, #tpu.memory_space<semaphore_mem>>) src(%arg10 : memref<10240xf32, #tpu.memory_space<vmem>>) dst(%dma_wait3A_75 : memref<10240xf32, #tpu.memory_space<hbm>>)
    %add3A_76 = arith.constant 71680 : i32
    %add3A_77 = arith.addi %mul3A_2, %add3A_76 : i32
    "tpu.region"() ({
      %run_scoped3A = tpu.sem_alloc : memref<!tpu.dma_semaphore, #tpu.memory_space<semaphore_mem>>
      %dma_start3A_128 = tpu.memref_slice %arg2[%add3A_77] : memref<3276800xi32, #tpu.memory_space<hbm>> -> memref<10240xi32, #tpu.memory_space<hbm>>
      %dma_start3A_129 = tpu.memref_slice %arg2[%add3A_77] : memref<3276800xi32, #tpu.memory_space<hbm>> -> memref<10240xi32, #tpu.memory_space<hbm>>
      tpu.enqueue_dma source(%dma_start3A_129 : memref<10240xi32, #tpu.memory_space<hbm>>) target(%arg7 : memref<10240xi32, #tpu.memory_space<vmem>>) target_semaphore(%run_scoped3A : memref<!tpu.dma_semaphore, #tpu.memory_space<semaphore_mem>>)
      %dma_wait3A_130 = tpu.memref_slice %arg2[%add3A_77] : memref<3276800xi32, #tpu.memory_space<hbm>> -> memref<10240xi32, #tpu.memory_space<hbm>>
      %dma_wait3A_131 = tpu.memref_slice %arg2[%add3A_77] : memref<3276800xi32, #tpu.memory_space<hbm>> -> memref<10240xi32, #tpu.memory_space<hbm>>
      tpu.wait_dma2 semaphore(%run_scoped3A : memref<!tpu.dma_semaphore, #tpu.memory_space<semaphore_mem>>) src(%dma_wait3A_131 : memref<10240xi32, #tpu.memory_space<hbm>>) dst(%arg7 : memref<10240xi32, #tpu.memory_space<vmem>>)
      tpu.yield
    }) : () -> ()
    %dma_start3A_78 = arith.constant 0 : i32
    %dma_start3A_79 = tpu.memref_slice %arg5[%dma_start3A_78] : memref<1000000xf32, #tpu.memory_space<vmem_shared>> -> memref<1000000xf32, #tpu.memory_space<vmem_shared>>
    tpu.enqueue_indirect_dma source(%dma_start3A_79 : memref<1000000xf32, #tpu.memory_space<vmem_shared>>) target(%arg10 : memref<10240xf32, #tpu.memory_space<vmem>>) offsets(%arg7 : memref<10240xi32, #tpu.memory_space<vmem>>) semaphore(%arg13 : memref<!tpu.dma_semaphore, #tpu.memory_space<semaphore_mem>>)
    %dma_wait3A_80 = arith.constant 0 : i32
    %dma_wait3A_81 = tpu.memref_slice %arg5[%dma_wait3A_80] : memref<1000000xf32, #tpu.memory_space<vmem_shared>> -> memref<1000000xf32, #tpu.memory_space<vmem_shared>>
    tpu.wait_indirect_dma semaphore(%arg14 : memref<!tpu.dma_semaphore, #tpu.memory_space<semaphore_mem>>) src(%dma_wait3A_81 : memref<1000000xf32, #tpu.memory_space<vmem_shared>>) dst(%arg11 : memref<10240xf32, #tpu.memory_space<vmem>>)
    %add3A_82 = arith.constant 51200 : i32
    %add3A_83 = arith.addi %mul3A_2, %add3A_82 : i32
    %dma_start3A_84 = tpu.memref_slice %arg4[%add3A_83] : memref<3276800xf32, #tpu.memory_space<hbm>> -> memref<10240xf32, #tpu.memory_space<hbm>>
    %dma_start3A_85 = tpu.memref_slice %arg4[%add3A_83] : memref<3276800xf32, #tpu.memory_space<hbm>> -> memref<10240xf32, #tpu.memory_space<hbm>>
    tpu.enqueue_dma source(%arg11 : memref<10240xf32, #tpu.memory_space<vmem>>) target(%dma_start3A_85 : memref<10240xf32, #tpu.memory_space<hbm>>) target_semaphore(%arg17 : memref<!tpu.dma_semaphore, #tpu.memory_space<semaphore_mem>>)
    %dma_wait3A_86 = tpu.memref_slice %arg4[%add3A_83] : memref<3276800xf32, #tpu.memory_space<hbm>> -> memref<10240xf32, #tpu.memory_space<hbm>>
    %dma_wait3A_87 = tpu.memref_slice %arg4[%add3A_83] : memref<3276800xf32, #tpu.memory_space<hbm>> -> memref<10240xf32, #tpu.memory_space<hbm>>
    tpu.wait_dma2 semaphore(%arg17 : memref<!tpu.dma_semaphore, #tpu.memory_space<semaphore_mem>>) src(%arg11 : memref<10240xf32, #tpu.memory_space<vmem>>) dst(%dma_wait3A_87 : memref<10240xf32, #tpu.memory_space<hbm>>)
    %add3A_88 = arith.constant 81920 : i32
    %add3A_89 = arith.addi %mul3A_2, %add3A_88 : i32
    "tpu.region"() ({
      %run_scoped3A = tpu.sem_alloc : memref<!tpu.dma_semaphore, #tpu.memory_space<semaphore_mem>>
      %dma_start3A_128 = tpu.memref_slice %arg2[%add3A_89] : memref<3276800xi32, #tpu.memory_space<hbm>> -> memref<10240xi32, #tpu.memory_space<hbm>>
      %dma_start3A_129 = tpu.memref_slice %arg2[%add3A_89] : memref<3276800xi32, #tpu.memory_space<hbm>> -> memref<10240xi32, #tpu.memory_space<hbm>>
      tpu.enqueue_dma source(%dma_start3A_129 : memref<10240xi32, #tpu.memory_space<hbm>>) target(%arg8 : memref<10240xi32, #tpu.memory_space<vmem>>) target_semaphore(%run_scoped3A : memref<!tpu.dma_semaphore, #tpu.memory_space<semaphore_mem>>)
      %dma_wait3A_130 = tpu.memref_slice %arg2[%add3A_89] : memref<3276800xi32, #tpu.memory_space<hbm>> -> memref<10240xi32, #tpu.memory_space<hbm>>
      %dma_wait3A_131 = tpu.memref_slice %arg2[%add3A_89] : memref<3276800xi32, #tpu.memory_space<hbm>> -> memref<10240xi32, #tpu.memory_space<hbm>>
      tpu.wait_dma2 semaphore(%run_scoped3A : memref<!tpu.dma_semaphore, #tpu.memory_space<semaphore_mem>>) src(%dma_wait3A_131 : memref<10240xi32, #tpu.memory_space<hbm>>) dst(%arg8 : memref<10240xi32, #tpu.memory_space<vmem>>)
      tpu.yield
    }) : () -> ()
    %dma_start3A_90 = arith.constant 0 : i32
    %dma_start3A_91 = tpu.memref_slice %arg5[%dma_start3A_90] : memref<1000000xf32, #tpu.memory_space<vmem_shared>> -> memref<1000000xf32, #tpu.memory_space<vmem_shared>>
    tpu.enqueue_indirect_dma source(%dma_start3A_91 : memref<1000000xf32, #tpu.memory_space<vmem_shared>>) target(%arg11 : memref<10240xf32, #tpu.memory_space<vmem>>) offsets(%arg8 : memref<10240xi32, #tpu.memory_space<vmem>>) semaphore(%arg14 : memref<!tpu.dma_semaphore, #tpu.memory_space<semaphore_mem>>)
    %dma_wait3A_92 = arith.constant 0 : i32
    %dma_wait3A_93 = tpu.memref_slice %arg5[%dma_wait3A_92] : memref<1000000xf32, #tpu.memory_space<vmem_shared>> -> memref<1000000xf32, #tpu.memory_space<vmem_shared>>
    tpu.wait_indirect_dma semaphore(%arg12 : memref<!tpu.dma_semaphore, #tpu.memory_space<semaphore_mem>>) src(%dma_wait3A_93 : memref<1000000xf32, #tpu.memory_space<vmem_shared>>) dst(%arg9 : memref<10240xf32, #tpu.memory_space<vmem>>)
    %add3A_94 = arith.constant 61440 : i32
    %add3A_95 = arith.addi %mul3A_2, %add3A_94 : i32
    %dma_start3A_96 = tpu.memref_slice %arg4[%add3A_95] : memref<3276800xf32, #tpu.memory_space<hbm>> -> memref<10240xf32, #tpu.memory_space<hbm>>
    %dma_start3A_97 = tpu.memref_slice %arg4[%add3A_95] : memref<3276800xf32, #tpu.memory_space<hbm>> -> memref<10240xf32, #tpu.memory_space<hbm>>
    tpu.enqueue_dma source(%arg9 : memref<10240xf32, #tpu.memory_space<vmem>>) target(%dma_start3A_97 : memref<10240xf32, #tpu.memory_space<hbm>>) target_semaphore(%arg15 : memref<!tpu.dma_semaphore, #tpu.memory_space<semaphore_mem>>)
    %dma_wait3A_98 = tpu.memref_slice %arg4[%add3A_95] : memref<3276800xf32, #tpu.memory_space<hbm>> -> memref<10240xf32, #tpu.memory_space<hbm>>
    %dma_wait3A_99 = tpu.memref_slice %arg4[%add3A_95] : memref<3276800xf32, #tpu.memory_space<hbm>> -> memref<10240xf32, #tpu.memory_space<hbm>>
    tpu.wait_dma2 semaphore(%arg15 : memref<!tpu.dma_semaphore, #tpu.memory_space<semaphore_mem>>) src(%arg9 : memref<10240xf32, #tpu.memory_space<vmem>>) dst(%dma_wait3A_99 : memref<10240xf32, #tpu.memory_space<hbm>>)
    %add3A_100 = arith.constant 92160 : i32
    %add3A_101 = arith.addi %mul3A_2, %add3A_100 : i32
    "tpu.region"() ({
      %run_scoped3A = tpu.sem_alloc : memref<!tpu.dma_semaphore, #tpu.memory_space<semaphore_mem>>
      %dma_start3A_128 = tpu.memref_slice %arg2[%add3A_101] : memref<3276800xi32, #tpu.memory_space<hbm>> -> memref<10240xi32, #tpu.memory_space<hbm>>
      %dma_start3A_129 = tpu.memref_slice %arg2[%add3A_101] : memref<3276800xi32, #tpu.memory_space<hbm>> -> memref<10240xi32, #tpu.memory_space<hbm>>
      tpu.enqueue_dma source(%dma_start3A_129 : memref<10240xi32, #tpu.memory_space<hbm>>) target(%arg6 : memref<10240xi32, #tpu.memory_space<vmem>>) target_semaphore(%run_scoped3A : memref<!tpu.dma_semaphore, #tpu.memory_space<semaphore_mem>>)
      %dma_wait3A_130 = tpu.memref_slice %arg2[%add3A_101] : memref<3276800xi32, #tpu.memory_space<hbm>> -> memref<10240xi32, #tpu.memory_space<hbm>>
      %dma_wait3A_131 = tpu.memref_slice %arg2[%add3A_101] : memref<3276800xi32, #tpu.memory_space<hbm>> -> memref<10240xi32, #tpu.memory_space<hbm>>
      tpu.wait_dma2 semaphore(%run_scoped3A : memref<!tpu.dma_semaphore, #tpu.memory_space<semaphore_mem>>) src(%dma_wait3A_131 : memref<10240xi32, #tpu.memory_space<hbm>>) dst(%arg6 : memref<10240xi32, #tpu.memory_space<vmem>>)
      tpu.yield
    }) : () -> ()
    %dma_start3A_102 = arith.constant 0 : i32
    %dma_start3A_103 = tpu.memref_slice %arg5[%dma_start3A_102] : memref<1000000xf32, #tpu.memory_space<vmem_shared>> -> memref<1000000xf32, #tpu.memory_space<vmem_shared>>
    tpu.enqueue_indirect_dma source(%dma_start3A_103 : memref<1000000xf32, #tpu.memory_space<vmem_shared>>) target(%arg9 : memref<10240xf32, #tpu.memory_space<vmem>>) offsets(%arg6 : memref<10240xi32, #tpu.memory_space<vmem>>) semaphore(%arg12 : memref<!tpu.dma_semaphore, #tpu.memory_space<semaphore_mem>>)
    %dma_wait3A_104 = arith.constant 0 : i32
    %dma_wait3A_105 = tpu.memref_slice %arg5[%dma_wait3A_104] : memref<1000000xf32, #tpu.memory_space<vmem_shared>> -> memref<1000000xf32, #tpu.memory_space<vmem_shared>>
    tpu.wait_indirect_dma semaphore(%arg13 : memref<!tpu.dma_semaphore, #tpu.memory_space<semaphore_mem>>) src(%dma_wait3A_105 : memref<1000000xf32, #tpu.memory_space<vmem_shared>>) dst(%arg10 : memref<10240xf32, #tpu.memory_space<vmem>>)
    %add3A_106 = arith.constant 71680 : i32
    %add3A_107 = arith.addi %mul3A_2, %add3A_106 : i32
    %dma_start3A_108 = tpu.memref_slice %arg4[%add3A_107] : memref<3276800xf32, #tpu.memory_space<hbm>> -> memref<10240xf32, #tpu.memory_space<hbm>>
    %dma_start3A_109 = tpu.memref_slice %arg4[%add3A_107] : memref<3276800xf32, #tpu.memory_space<hbm>> -> memref<10240xf32, #tpu.memory_space<hbm>>
    tpu.enqueue_dma source(%arg10 : memref<10240xf32, #tpu.memory_space<vmem>>) target(%dma_start3A_109 : memref<10240xf32, #tpu.memory_space<hbm>>) target_semaphore(%arg16 : memref<!tpu.dma_semaphore, #tpu.memory_space<semaphore_mem>>)
    %dma_wait3A_110 = arith.constant 0 : i32
    %dma_wait3A_111 = tpu.memref_slice %arg5[%dma_wait3A_110] : memref<1000000xf32, #tpu.memory_space<vmem_shared>> -> memref<1000000xf32, #tpu.memory_space<vmem_shared>>
    tpu.wait_indirect_dma semaphore(%arg14 : memref<!tpu.dma_semaphore, #tpu.memory_space<semaphore_mem>>) src(%dma_wait3A_111 : memref<1000000xf32, #tpu.memory_space<vmem_shared>>) dst(%arg11 : memref<10240xf32, #tpu.memory_space<vmem>>)
    %add3A_112 = arith.constant 81920 : i32
    %add3A_113 = arith.addi %mul3A_2, %add3A_112 : i32
    %dma_start3A_114 = tpu.memref_slice %arg4[%add3A_113] : memref<3276800xf32, #tpu.memory_space<hbm>> -> memref<10240xf32, #tpu.memory_space<hbm>>
    %dma_start3A_115 = tpu.memref_slice %arg4[%add3A_113] : memref<3276800xf32, #tpu.memory_space<hbm>> -> memref<10240xf32, #tpu.memory_space<hbm>>
    tpu.enqueue_dma source(%arg11 : memref<10240xf32, #tpu.memory_space<vmem>>) target(%dma_start3A_115 : memref<10240xf32, #tpu.memory_space<hbm>>) target_semaphore(%arg17 : memref<!tpu.dma_semaphore, #tpu.memory_space<semaphore_mem>>)
    %dma_wait3A_116 = arith.constant 0 : i32
    %dma_wait3A_117 = tpu.memref_slice %arg5[%dma_wait3A_116] : memref<1000000xf32, #tpu.memory_space<vmem_shared>> -> memref<1000000xf32, #tpu.memory_space<vmem_shared>>
    tpu.wait_indirect_dma semaphore(%arg12 : memref<!tpu.dma_semaphore, #tpu.memory_space<semaphore_mem>>) src(%dma_wait3A_117 : memref<1000000xf32, #tpu.memory_space<vmem_shared>>) dst(%arg9 : memref<10240xf32, #tpu.memory_space<vmem>>)
    %add3A_118 = arith.constant 92160 : i32
    %add3A_119 = arith.addi %mul3A_2, %add3A_118 : i32
    %dma_start3A_120 = tpu.memref_slice %arg4[%add3A_119] : memref<3276800xf32, #tpu.memory_space<hbm>> -> memref<10240xf32, #tpu.memory_space<hbm>>
    %dma_start3A_121 = tpu.memref_slice %arg4[%add3A_119] : memref<3276800xf32, #tpu.memory_space<hbm>> -> memref<10240xf32, #tpu.memory_space<hbm>>
    tpu.enqueue_dma source(%arg9 : memref<10240xf32, #tpu.memory_space<vmem>>) target(%dma_start3A_121 : memref<10240xf32, #tpu.memory_space<hbm>>) target_semaphore(%arg15 : memref<!tpu.dma_semaphore, #tpu.memory_space<semaphore_mem>>)
    %dma_wait3A_122 = tpu.memref_slice %arg4[%add3A_107] : memref<3276800xf32, #tpu.memory_space<hbm>> -> memref<10240xf32, #tpu.memory_space<hbm>>
    %dma_wait3A_123 = tpu.memref_slice %arg4[%add3A_107] : memref<3276800xf32, #tpu.memory_space<hbm>> -> memref<10240xf32, #tpu.memory_space<hbm>>
    tpu.wait_dma2 semaphore(%arg16 : memref<!tpu.dma_semaphore, #tpu.memory_space<semaphore_mem>>) src(%arg10 : memref<10240xf32, #tpu.memory_space<vmem>>) dst(%dma_wait3A_123 : memref<10240xf32, #tpu.memory_space<hbm>>)
    %dma_wait3A_124 = tpu.memref_slice %arg4[%add3A_113] : memref<3276800xf32, #tpu.memory_space<hbm>> -> memref<10240xf32, #tpu.memory_space<hbm>>
    %dma_wait3A_125 = tpu.memref_slice %arg4[%add3A_113] : memref<3276800xf32, #tpu.memory_space<hbm>> -> memref<10240xf32, #tpu.memory_space<hbm>>
    tpu.wait_dma2 semaphore(%arg17 : memref<!tpu.dma_semaphore, #tpu.memory_space<semaphore_mem>>) src(%arg11 : memref<10240xf32, #tpu.memory_space<vmem>>) dst(%dma_wait3A_125 : memref<10240xf32, #tpu.memory_space<hbm>>)
    %dma_wait3A_126 = tpu.memref_slice %arg4[%add3A_119] : memref<3276800xf32, #tpu.memory_space<hbm>> -> memref<10240xf32, #tpu.memory_space<hbm>>
    %dma_wait3A_127 = tpu.memref_slice %arg4[%add3A_119] : memref<3276800xf32, #tpu.memory_space<hbm>> -> memref<10240xf32, #tpu.memory_space<hbm>>
    tpu.wait_dma2 semaphore(%arg15 : memref<!tpu.dma_semaphore, #tpu.memory_space<semaphore_mem>>) src(%arg9 : memref<10240xf32, #tpu.memory_space<vmem>>) dst(%dma_wait3A_127 : memref<10240xf32, #tpu.memory_space<hbm>>)
    return
  }
}

</mosaic_0001>

<sc_bundles>
// kernel: kernel.3.cloned.1.call-start
scs
__scs_entry_jumppad:
0x0: {  	(pc) =	sbr.rel $0x88, $3  }
0x1: {  	(tag) =	ssettag $0x0;
	lr =	simm.s32 $0x1  }
0x2: {  	[smem:$0x3F9F] =	sst lr;
	_ =	strace $0xD0000000  }
0x3: {  	_ = 	snop  }
0x4: {  	_ = 	snop  }
0x5: {  	_ = 	snop  }
0x6: {  	_ = 	snop  }
0x7: {  	_ = 	snop  }
__scs_overlays_trampoline_lowered:
0x8: {  	[smem:$0x3FAE] =	sst s0  }
0x9: {  	[smem:$0x3FAF] =	sst s1  }
0xa: {  	[smem:$0x3FB0] =	sst s2  }
0xb: {  	[smem:$0x3FB1] =	sst s3  }
0xc: {  	[smem:$0x3FB2] =	sst s4  }
0xd: {  	[smem:$0x3FB3] =	sst s5  }
0xe: {  	[smem:$0x3FB4] =	sst s6  }
0xf: {  	[smem:$0x3FB5] =	sst s7  }
0x10: {  	[smem:$0x3FB6] =	sst s8  }
0x11: {  	[smem:$0x3FB7] =	sst s9;
	s0 =	simm.s32 @!p0 $0x0  }
0x12: {  	s1 =	sld [smem:$0x3F9D];
	s0 =	simm.s32 @p0 $0x1  }
0x13: {  	[smem:$0x3FB8] =	sst s0;
	s0 =	simm.s32 @!p1 $0x0  }
0x14: {  	s2 =	sld [smem:$0x3F9C];
	s0 =	simm.s32 @p1 $0x1  }
0x15: {  	[smem:$0x3FB9] =	sst s0;
	s0 =	simm.s32 @!p2 $0x0  }
0x16: {  	s3 =	sld [smem:$0x3FDB];
	s0 =	simm.s32 @p2 $0x1  }
0x17: {  	s4 =	simm.s32 $0x1BF5;
	[smem:$0x3FBB] =	sst s0  }
0x18: {  	s0 =	sld [smem:$0x3F9E];
	_ =	swait.ge [sflag:s4], $0x0  }
0x19: {  	s7 =	sld [smem:$0x3F9F]  }
0x1a: {  	s8 =	sadd.s32 $0xFFFFE003, lr  }
0x1b: {  	s9 =	sadd.s32 $0xFFFFFEF7, lr;
	s5 =	simm.s32 $0xFFFFFFFF;
	p2 =	slt.u32 s8, $0xFFFFF086  }
0x1c: {  	p1 =	slt.u32 s9, $0xF7A;
	s5 =	simm.s32 @!p2 $0x0  }
0x1d: {  	s5 =	simm.s32 @p1 $0x1;
	p0 =	seq.s32 s7, s2  }
0x1e: {  	s7 =	smul.u32 @!p0 $0xF7A, s2;
	p2 =	seq.s32 @!p0 s5, $0x0  }
0x1f: {  	s9 =	smul.u32 $0xF7A, s1;
	s8 =	simm.s32 @!p0 $0x1BF5;
	p2 =	por !p2, p0  }
0x20: {  	[sflag:s8] =	ssyncset.s32 @!p0 $0xFFFFF086;
	s6 =	sadd.s32 @!p0 s3, s7;
	s7 =	simm.s32 @!p0 $0x108  }
0x21: {  	s3 =	sadd.s32 s3, s9;
	s6 =	sadd.s32 @!p0 $0x88, s6;
	s7 =	simm.s32 @p2 $0x1082  }
0x22: {  	[simem:s7], [sflag:s8] =	dma.local @!p0 [hbm:s6], $0xF7A  }
0x23: {  	s9 =	sor.u32 $0xD0000000, s2;
	s6 =	simm.s32 $0x108;
	_ =	swait.ge @!p0 [sflag:s8], $0x0  }
0x24: {  	s3 =	sadd.s32 $0x88, s3;
	s6 =	simm.s32 @!p1 $0x1082;
	[sflag:s4] =	ssyncset.s32 $0xFFFFF086  }
0x25: {  	[simem:s6], [sflag:s4] =	dma.local [hbm:s3], $0xF7A  }
0x26: {  	[smem:$0x3F9F] =	sst s1;
	(tag) =	ssettag s2;
	_ =	strace s9  }
0x27: {  	s1 =	sld [smem:$0x3FAF]  }
0x28: {  	s2 =	sld [smem:$0x3FB0]  }
0x29: {  	s4 =	sld [smem:$0x3FB2]  }
0x2a: {  	p0 =	seq.s32 s5, $0x0;
	s5 =	sld [smem:$0x3FB3]  }
0x2b: {  	s6 =	sld [smem:$0x3FB4]  }
0x2c: {  	s7 =	sld [smem:$0x3FB5]  }
0x2d: {  	s3 =	simm.s32 $0x108;
	s8 =	sld [smem:$0x3FB6]  }
0x2e: {  	s3 =	simm.s32 @!p0 $0x1082;
	s9 =	sld [smem:$0x3FB7]  }
0x2f: {  	lr =	sadd.s32 s0, s3;
	s0 =	sld [smem:$0x3FAE]  }
0x30: {  	s3 =	sld [smem:$0x3FB1]  }
0x31: {  	[smem:$0x3FBA] =	sst s10  }
0x32: {  	s10 =	sld [smem:$0x3FB8];
	_ =	sdelay $0x3  }
0x33: {  	p0 =	seq.s32 s10, $0x1;
	s10 =	sld [smem:$0x3FBA];
	_ =	sdelay $0x3  }
0x34: {  	[smem:$0x3FBA] =	sst s10  }
0x35: {  	s10 =	sld [smem:$0x3FB9];
	_ =	sdelay $0x3  }
0x36: {  	p1 =	seq.s32 s10, $0x1;
	s10 =	sld [smem:$0x3FBA];
	_ =	sdelay $0x3  }
0x37: {  	[smem:$0x3FBA] =	sst s10  }
0x38: {  	s10 =	sld [smem:$0x3FBB]  }
0x39: {  	_ = 	snop;
	(pc) =	sbr.ind lr, $3  }
0x3a: {  	_ = 	snop  }
0x3b: {  	_ = 	snop  }
0x3c: {  	p2 =	seq.s32 s10, $0x1;
	s10 =	sld [smem:$0x3FBA]  }
0x3d: {  	_ =	shalt  }
0x3e: {  	_ =	shalt  }
0x3f: {  	_ =	shalt  }
0x40: {  	_ =	shalt  }
0x41: {  	_ =	shalt  }
0x42: {  	_ =	shalt  }
0x43: {  	_ =	shalt  }
0x44: {  	_ =	shalt  }
0x45: {  	_ =	shalt  }
0x46: {  	_ =	shalt  }
0x47: {  	_ =	shalt  }
0x48: {  	_ =	shalt  }
0x49: {  	_ =	shalt  }
0x4a: {  	_ =	shalt  }
0x4b: {  	_ =	shalt  }
0x4c: {  	_ =	shalt  }
0x4d: {  	_ =	shalt  }
0x4e: {  	_ =	shalt  }
0x4f: {  	_ =	shalt  }
0x50: {  	_ =	shalt  }
0x51: {  	_ =	shalt  }
0x52: {  	_ =	shalt  }
0x53: {  	_ =	shalt  }
0x54: {  	_ =	shalt  }
0x55: {  	_ =	shalt  }
0x56: {  	_ =	shalt  }
0x57: {  	_ =	shalt  }
0x58: {  	_ =	shalt  }
0x59: {  	_ =	shalt  }
0x5a: {  	_ =	shalt  }
0x5b: {  	_ =	shalt  }
0x5c: {  	_ =	shalt  }
0x5d: {  	_ =	shalt  }
0x5e: {  	_ =	shalt  }
0x5f: {  	_ =	shalt  }
0x60: {  	_ =	shalt  }
0x61: {  	_ =	shalt  }
0x62: {  	_ =	shalt  }
0x63: {  	_ =	shalt  }
0x64: {  	_ =	shalt  }
0x65: {  	_ =	shalt  }
0x66: {  	_ =	shalt  }
0x67: {  	_ =	shalt  }
0x68: {  	_ =	shalt  }
0x69: {  	_ =	shalt  }
0x6a: {  	_ =	shalt  }
0x6b: {  	_ =	shalt  }
0x6c: {  	_ =	shalt  }
0x6d: {  	_ =	shalt  }
0x6e: {  	_ =	shalt  }
0x6f: {  	_ =	shalt  }
0x70: {  	_ =	shalt  }
0x71: {  	_ =	shalt  }
0x72: {  	_ =	shalt  }
0x73: {  	_ =	shalt  }
0x74: {  	_ =	shalt  }
0x75: {  	_ =	shalt  }
0x76: {  	_ =	shalt  }
0x77: {  	_ =	shalt  }
0x78: {  	_ =	shalt  }
0x79: {  	_ =	shalt  }
0x7a: {  	_ =	shalt  }
0x7b: {  	_ =	shalt  }
0x7c: {  	_ =	shalt  }
0x7d: {  	_ =	shalt  }
0x7e: {  	_ =	shalt  }
0x7f: {  	_ =	shalt  }
0x80: {  	_ =	shalt  }
0x81: {  	_ =	shalt  }
0x82: {  	_ =	shalt  }
0x83: {  	_ =	shalt  }
0x84: {  	_ =	shalt  }
0x85: {  	_ =	shalt  }
0x86: {  	_ =	shalt  }
0x87: {  	_ =	shalt  }
.Lfunc_end0:
.L_simem_size_0:
called_computation_lowered:
.L_overlay_start_0:
0x88: {  	s2 =	sld [smem:$0x3FD9]  }
0x89: {  	s3 =	sld [smem:$0x3FFE];
	_ =	sdelay $0x1  }
0x8a: {  	s1 =	srdreg.scid  }
0x8b: {  	s0 =	sand.u32 $0x1, s1  }
0x8c: {  	s18 =	sshll.u32 s0, $0xA;
	s2 =	sadd.s32 s3, s2  }
0x8d: {  	s2 =	sadd.s32 s2, s18  }
0x8e: {  	[smem:$0x3FC6] =	sst s2  }
0x8f: {  	_ = 	snop  }
0x90: {  	s2 =	sld [smem:$0x3FC9]  }
0x91: {  	s19 =	sld [smem:$0x3FC8]  }
0x92: {  	s4 =	sld [smem:$0x3FD0];
	(tm) =	ssettm $0x1  }
0x93: {  	s5 =	sld [smem:$0x3FFB];
	_ =	sdelay $0x3  }
0x94: {  	_ =	strace s5  }
0x95: {  	s5 =	sld [smem:$0x3FFC];
	_ =	sdelay $0x3  }
0x96: {  	_ =	strace s5  }
0x97: {  	s5 =	sld [smem:$0x3FFD];
	_ =	sdelay $0x3  }
0x98: {  	_ =	strace s5  }
0x99: {  	_ =	strace $0x8FFFFFFF  }
0x9a: {  	s20 =	sld [smem:$0x3FDB];
	_ =	sdelay $0x1  }
0x9b: {  	s6 =	simm.s32 $_scs_section_size  }
0x9c: {  	s7 =	simm.s32 $_size__tile_overlayer_lowered;
	s8 =	simm.s32 $_tile_overlayer_lowered  }
0x9d: {  	s23 =	simm.s32 $0x1BFF;
	s22 =	sshll.u32 s8, $0x1;
	s5 =	sadd.s32 s6, s20  }
0x9e: {  	s9 =	simm.s32 $0x0;
	s21 =	sshll.u32 s7, $0x1;
	s7 =	sadd.s32 s22, s5  }
0x9f: {  	[timem:s9], [sflag:s23] =	dma.local [hbm:s7], s21  }
0xa0: {  	_ =	swait.ge [sflag:s23], s21  }
0xa1: {  	s6 =	ssub.s32 $0x0, s21;
	[sflag:s23] =	ssyncset.done $0x0  }
0xa2: {  	[sflag:s23] =	ssyncadd.s32 s6;
	_ =	sdelay $0x1  }
0xa3: {  	s24 =	simm.s32 $0x1B8B  }
0xa4: {  	_ =	swait.ge [sflag:s24], $0x1  }
0xa5: {  	[sflag:s24] =	ssyncset.done $0x0  }
0xa6: {  	s25 =	simm.s32 $0x1B8E;
	[sflag:s24] =	ssyncadd.s32 $0xFFFFFFFF  }
0xa7: {  	s26 =	simm.s32 $execute0_lowered;
	[smem:$0x3FD2] =	sst s25  }
0xa8: {  	s6 =	sshll.u32 s26, $0x1;
	_ =	strace $0x80000046;
	[dreg:$0x1] =	wrdreg $0xFFFFFFFF  }
0xa9: {  	s28 =	simm.s32 $_size_execute0_lowered;
	s5 =	sadd.s32 s5, s6;
	[dreg:$0x0] =	wrdreg $0x0  }
0xaa: {  	s6 =	sshll.u32 s28, $0x1;
	[dreg:$0x2] =	wrdreg s5  }
0xab: {  	[dreg:$0x3] =	wrdreg s6  }
0xac: {  	[dreg:$0x4] =	wrdreg $0xC0  }
0xad: {  	_ =	task [dreg:s9], $0x5FFFF  }
0xae: {  	[dreg:$0x1] =	wrdreg $0xFFFFFFFF  }
0xaf: {  	[dreg:$0x0] =	wrdreg $0x60  }
0xb0: {  	[dreg:$0x2] =	wrdreg s2  }
0xb1: {  	[dreg:$0x3] =	wrdreg s19  }
0xb2: {  	[dreg:$0x4] =	wrdreg s4  }
0xb3: {  	[dreg:$0x5] =	wrdreg $0x0  }
0xb4: {  	[dreg:$0x6] =	wrdreg $0x9  }
0xb5: {  	_ =	task.clear_ibuf [dreg:s9], $0x7FFFF;
	_ =	strace $0x90000046  }
0xb6: {  	s29 =	simm.s32 $0x9;
	_ =	strace $0x80000048  }
0xb7: {  	_ =	swait.ge [sflag:s29], $0x1  }
0xb8: {  	[sflag:s29] =	ssyncadd.s32 $0xFFFFFFFF  }
0xb9: {  	_ =	strace $0x90000048  }
0xba: {  	_ =	sfence  }
0xbb: {  	s30 =	sld [smem:$0x0];
	_ =	sdelay $0x2  }
0xbc: {  	s31 =	sshll.u32 s1, $0xD;
	s1 =	sshrl.u32 s1, $0x2  }
0xbd: {  	s3 =	sand.u32 $0x4000, s31;
	s1 =	sadd.s32 s1, s30  }
0xbe: {  	s0 =	sor.u32 s3, s0;
	s1 =	sshll.u32 s1, $0x11  }
0xbf: {  	s0 =	sor.u32 s1, s0  }
0xc0: {  	s0 =	sadd.s32 $0x8F2B, s0  }
0xc1: {  	[sflag:s0] =	ssyncadd.remote.s32 $0x1  }
0xc2: {  	_ =	sfence.sel $0xFFFF  }
0xc3: {  	[dreg:$0x0] =	wrdreg $0xFFFFFFFF;
	(pc) =	sbr.abs _section_cstart, $3  }
0xc4: {  	[dreg:$0x1] =	wrdreg $0xFFFFFFFF  }
0xc5: {  	_ =	task.clear_ibuf [dreg:s9], $0x2FFFF;
	_ =	strace $0x9FFFFFFF  }
0xc6: {  	(tm) =	ssettm $0x7FFFFFFF  }
0xc7: {  	_ =	shalt  }
tec
execute0_lowered:
.L_overlay_start_1:
0x0: {  	(tag) =	ssettag $0x1  }
0x1: {  	s0 =	rddreg [dreg:$0x0]  }
0x2: {  	s1 =	rddreg [dreg:$0x1];
	s2 =	srdreg.scid  }
0x3: {  	s5 =	stileid.u32;
	s7 =	rddreg [dreg:$0x2]  }
0x4: {  	s30 =	rddreg [dreg:$0x4];
	s3 =	sand.u32 $0x1, s2;
	s23 =	sshll.u32 s5, $0x1  }
0x5: {  	p1 =	por $0x0, $0x0;
	[dreg:$0x5] =	wrdreg s1;
	s1 =	sor.u32 s3, s23  }
0x6: {  	s2 =	rddreg [dreg:$0x3];
	p0 =	sne.s32 s5, $0x0;
	s4 =	smul.u32 $0x19000, s1  }
0x7: {  	s5 =	simm.s32 $0x4;
	s3 =	ssub.s32 $0x2, s3;
	s1 =	simm.s32 $0x0  }
0x8: {  	s28 =	sshrl.u32 @!p0 s2, $0x3;
	[smem:$0x7FF] =	sst s1;
	s4 =	sshrl.u32 s4, $0x3  }
0x9: {  	_ =	strace $0x80000047;
	s6 =	sadd.s32 s0, s4;
	s8 =	sadd.s32 $0x500, s4  }
0xa: {  	s9 =	sadd.s32 $0xA00, s4;
	s26 =	sadd.s32 s7, s4;
	s10 =	sadd.s32 $0xF00, s4  }
0xb: {  	s12 =	sadd.s32 $0x1400, s4;
	s15 =	sadd.s32 $0x1900, s4;
	s18 =	sadd.s32 $0x1E00, s4  }
0xc: {  	s20 =	sadd.s32 $0x2300, s4;
	s22 =	sadd.s32 $0x2800, s4;
	[dreg:$0x6] =	wrdreg s6  }
0xd: {  	s24 =	sadd.s32 s0, s8;
	s25 =	sadd.s32 s0, s9;
	[dreg:$0x9] =	wrdreg s26  }
0xe: {  	s29 =	sadd.s32 s0, s10;
	s11 =	sadd.s32 s7, s8;
	s13 =	sadd.s32 s0, s12  }
0xf: {  	s14 =	sadd.s32 s7, s9;
	s16 =	sadd.s32 s0, s15;
	s17 =	sadd.s32 s7, s10  }
0x10: {  	s23 =	sadd.s32 s0, s20;
	s21 =	sadd.s32 s7, s15;
	[dreg:$0x7] =	wrdreg s24  }
0x11: {  	s26 =	sadd.s32 $0x2D00, s4;
	s19 =	sadd.s32 s0, s22;
	[dreg:$0x8] =	wrdreg s25  }
0x12: {  	s6 =	sadd.s32 s7, s20;
	s4 =	sadd.s32 s7, s22;
	[dreg:$0xa] =	wrdreg s29  }
0x13: {  	s15 =	simm.s32 $0x7;
	[dreg:$0xb] =	wrdreg s11;
	s11 =	sshrl.u32 s3, $0x1  }
0x14: {  	s22 =	simm.s32 $0x14428;
	[dreg:$0xc] =	wrdreg s13;
	s11 =	ssub.s32 s3, s11  }
0x15: {  	s9 =	simm.s32 $0x1;
	[dreg:$0xd] =	wrdreg s14;
	s29 =	smax.u32 s11, $0x1  }
0x16: {  	s8 =	simm.s32 $0x5;
	[dreg:$0xe] =	wrdreg s16;
	s31 =	sadd.s32 $0xFFFFFFFF, s29  }
0x17: {  	s20 =	simm.s32 $0x3;
	[dreg:$0xf] =	wrdreg s17;
	p2 =	sne.s32 s31, $0x0  }
.Ltmp0:
0x18: {  	s25 =	sadd.s32 s0, s18;
	s24 =	sadd.s32 s7, s12;
	(pc) =	sbr.rel @!p2 .LBB2_5-.Ltmp0, $4  }
0x19: {  	s14 =	sadd.s32 s7, s18;
	s10 =	sadd.s32 s0, s26;
	s13 =	simm.s32 $0xF428  }
0x1a: {  	s17 =	simm.s32 $0x2800;
	s16 =	simm.s32 $0x19428;
	s12 =	simm.s32 $0x1BC28  }
0x1b: {  	s18 =	simm.s32 $0x2;
	s0 =	rddreg [dreg:$0x5];
	s3 =	sadd.s32 s7, s26  }
0x1c: {  	s26 =	simm.s32 $0x11C28;
	s7 =	simm.s32 $0x16C28;
	s11 =	simm.s32 $0x6  }
0x1d: {  	s29 =	simm.s32 @!p0 $0x1C01  }
0x1e: {  	[spmem:s28], [sflag:s29] =	dma.local @!p0 [hbm:s0], $0x1E850  }
0x1f: {  	s0 =	rddreg [dreg:$0x6]  }
0x20: {  	[tilespmem:s13], [sflag:$0x7] =	stream.linear.gather [hbm4b:s0+s1], $0x2800, $0x38;
	[tilespmem:$0x1E428] =	vst v63  }
0x21: {  	_ =	swait.ge [sflag:s15], $0x2800  }
0x22: {  	[sflag:s15] =	ssyncset.done $0x0  }
0x23: {  	s0 =	rddreg [dreg:$0x7];
	[sflag:s15] =	ssyncadd.s32 $0xFFFFD800  }
0x24: {  	[tilespmem:s26], [sflag:$0x7] =	stream.linear.gather [hbm4b:s0+s1], $0x2800, $0x38;
	[tilespmem:$0x1E428] =	vst v63  }
0x25: {  	_ =	swait.ge [sflag:s15], $0x2800  }
0x26: {  	[sflag:s15] =	ssyncset.done $0x0  }
0x27: {  	s0 =	rddreg [dreg:$0x8];
	[sflag:s15] =	ssyncadd.s32 $0xFFFFD800  }
0x28: {  	[tilespmem:s22], [sflag:$0x7] =	stream.linear.gather [hbm4b:s0+s1], $0x2800, $0x38;
	[tilespmem:$0x1E428] =	vst v63  }
0x29: {  	_ =	swait.ge [sflag:s15], $0x2800  }
0x2a: {  	[sflag:s15] =	ssyncset.done $0x0  }
0x2b: {  	s30 =	simm.s32 @!p0 $0x1;
	[sflag:s15] =	ssyncadd.s32 $0xFFFFD800  }
0x2c: {  	_ =	swait.ge @!p0 [sflag:s30], $0x1E850  }
0x2d: {  	[sflag:s30] =	ssyncset.done @!p0 $0x0  }
0x2e: {  	[sflag:s30] =	ssyncadd.s32 @!p0 $0xFFFE17B0  }
0x2f: {  	[bflag:$0x0] =	sbarrier.arrive $0xFFFF  }
0x30: {  	[tilespmem:s7], [sflag:$0x1] =	stream.indirect.gather [spmem:s2], $0x1, s13, s17, $0xb8;
	[tilespmem:$0x1E428] =	vst v63  }
0x31: {  	_ = 	snop  }
0x32: {  	[tilespmem:s16], [sflag:$0x2] =	stream.indirect.gather [spmem:s2], $0x1, s26, s17, $0xb8;
	[tilespmem:$0x1E428] =	vst v63  }
0x33: {  	_ = 	snop  }
0x34: {  	[tilespmem:s12], [sflag:$0x3] =	stream.indirect.gather [spmem:s2], $0x1, s22, s17, $0xb8;
	[tilespmem:$0x1E428] =	vst v63  }
0x35: {  	_ =	swait.ge [sflag:s9], $0x2800  }
0x36: {  	[sflag:s9] =	ssyncset.done $0x0  }
0x37: {  	s0 =	rddreg [dreg:$0x9];
	[sflag:s9] =	ssyncadd.s32 $0xFFFFD800  }
0x38: {  	[hbm4b:s0+s1] =	stream.linear.scatter [tilespmem:s7], [sflag:$0x4], $0x2800, $0x38;
	[tilespmem:$0x1E428] =	vst v63  }
0x39: {  	_ =	swait.ge [sflag:s5], $0x2800  }
0x3a: {  	[sflag:s5] =	ssyncset.done $0x0  }
0x3b: {  	s0 =	rddreg [dreg:$0xa];
	[sflag:s5] =	ssyncadd.s32 $0xFFFFD800  }
0x3c: {  	[tilespmem:s13], [sflag:$0x7] =	stream.linear.gather [hbm4b:s0+s1], $0x2800, $0x38;
	[tilespmem:$0x1E428] =	vst v63  }
0x3d: {  	_ =	swait.ge [sflag:s15], $0x2800  }
0x3e: {  	[sflag:s15] =	ssyncset.done $0x0  }
0x3f: {  	[sflag:s15] =	ssyncadd.s32 $0xFFFFD800  }
0x40: {  	[tilespmem:s7], [sflag:$0x1] =	stream.indirect.gather [spmem:s2], $0x1, s13, s17, $0xb8;
	[tilespmem:$0x1E428] =	vst v63  }
0x41: {  	_ =	swait.ge [sflag:s18], $0x2800  }
0x42: {  	[sflag:s18] =	ssyncset.done $0x0  }
0x43: {  	s0 =	rddreg [dreg:$0xb];
	[sflag:s18] =	ssyncadd.s32 $0xFFFFD800  }
0x44: {  	[hbm4b:s0+s1] =	stream.linear.scatter [tilespmem:s16], [sflag:$0x5], $0x2800, $0x38;
	[tilespmem:$0x1E428] =	vst v63  }
0x45: {  	_ =	swait.ge [sflag:s8], $0x2800  }
0x46: {  	[sflag:s8] =	ssyncset.done $0x0  }
0x47: {  	s0 =	rddreg [dreg:$0xc];
	[sflag:s8] =	ssyncadd.s32 $0xFFFFD800  }
0x48: {  	[tilespmem:s26], [sflag:$0x7] =	stream.linear.gather [hbm4b:s0+s1], $0x2800, $0x38;
	[tilespmem:$0x1E428] =	vst v63  }
0x49: {  	_ =	swait.ge [sflag:s15], $0x2800  }
0x4a: {  	[sflag:s15] =	ssyncset.done $0x0  }
0x4b: {  	[sflag:s15] =	ssyncadd.s32 $0xFFFFD800  }
0x4c: {  	[tilespmem:s16], [sflag:$0x2] =	stream.indirect.gather [spmem:s2], $0x1, s26, s17, $0xb8;
	[tilespmem:$0x1E428] =	vst v63  }
0x4d: {  	_ =	swait.ge [sflag:s20], $0x2800  }
0x4e: {  	[sflag:s20] =	ssyncset.done $0x0  }
0x4f: {  	s0 =	rddreg [dreg:$0xd];
	[sflag:s20] =	ssyncadd.s32 $0xFFFFD800  }
0x50: {  	[hbm4b:s0+s1] =	stream.linear.scatter [tilespmem:s12], [sflag:$0x6], $0x2800, $0x38;
	[tilespmem:$0x1E428] =	vst v63  }
0x51: {  	_ =	swait.ge [sflag:s11], $0x2800  }
0x52: {  	[sflag:s11] =	ssyncset.done $0x0  }
0x53: {  	s0 =	rddreg [dreg:$0xe];
	[sflag:s11] =	ssyncadd.s32 $0xFFFFD800  }
0x54: {  	[tilespmem:s22], [sflag:$0x7] =	stream.linear.gather [hbm4b:s0+s1], $0x2800, $0x38;
	[tilespmem:$0x1E428] =	vst v63  }
0x55: {  	_ =	swait.ge [sflag:s15], $0x2800  }
0x56: {  	[sflag:s15] =	ssyncset.done $0x0  }
0x57: {  	[sflag:s15] =	ssyncadd.s32 $0xFFFFD800  }
0x58: {  	[tilespmem:s12], [sflag:$0x3] =	stream.indirect.gather [spmem:s2], $0x1, s22, s17, $0xb8;
	[tilespmem:$0x1E428] =	vst v63  }
0x59: {  	_ =	swait.ge [sflag:s9], $0x2800  }
0x5a: {  	[sflag:s9] =	ssyncset.done $0x0  }
0x5b: {  	s0 =	rddreg [dreg:$0xf];
	[sflag:s9] =	ssyncadd.s32 $0xFFFFD800  }
0x5c: {  	[hbm4b:s0+s1] =	stream.linear.scatter [tilespmem:s7], [sflag:$0x4], $0x2800, $0x38;
	[tilespmem:$0x1E428] =	vst v63  }
0x5d: {  	_ =	swait.ge [sflag:s5], $0x2800  }
0x5e: {  	[sflag:s5] =	ssyncset.done $0x0  }
0x5f: {  	[sflag:s5] =	ssyncadd.s32 $0xFFFFD800  }
0x60: {  	[tilespmem:s13], [sflag:$0x7] =	stream.linear.gather [hbm4b:s25+s1], $0x2800, $0x38;
	[tilespmem:$0x1E428] =	vst v63  }
0x61: {  	_ =	swait.ge [sflag:s15], $0x2800  }
0x62: {  	[sflag:s15] =	ssyncset.done $0x0  }
0x63: {  	[sflag:s15] =	ssyncadd.s32 $0xFFFFD800  }
0x64: {  	[tilespmem:s7], [sflag:$0x1] =	stream.indirect.gather [spmem:s2], $0x1, s13, s17, $0xb8;
	[tilespmem:$0x1E428] =	vst v63  }
0x65: {  	_ =	swait.ge [sflag:s18], $0x2800  }
0x66: {  	[sflag:s18] =	ssyncset.done $0x0  }
0x67: {  	[sflag:s18] =	ssyncadd.s32 $0xFFFFD800  }
0x68: {  	[hbm4b:s24+s1] =	stream.linear.scatter [tilespmem:s16], [sflag:$0x5], $0x2800, $0x38;
	[tilespmem:$0x1E428] =	vst v63  }
0x69: {  	_ =	swait.ge [sflag:s8], $0x2800  }
0x6a: {  	[sflag:s8] =	ssyncset.done $0x0  }
0x6b: {  	[sflag:s8] =	ssyncadd.s32 $0xFFFFD800  }
0x6c: {  	[tilespmem:s26], [sflag:$0x7] =	stream.linear.gather [hbm4b:s23+s1], $0x2800, $0x38;
	[tilespmem:$0x1E428] =	vst v63  }
0x6d: {  	_ =	swait.ge [sflag:s15], $0x2800  }
0x6e: {  	[sflag:s15] =	ssyncset.done $0x0  }
0x6f: {  	[sflag:s15] =	ssyncadd.s32 $0xFFFFD800  }
0x70: {  	[tilespmem:s16], [sflag:$0x2] =	stream.indirect.gather [spmem:s2], $0x1, s26, s17, $0xb8;
	[tilespmem:$0x1E428] =	vst v63  }
0x71: {  	_ =	swait.ge [sflag:s20], $0x2800  }
0x72: {  	[sflag:s20] =	ssyncset.done $0x0  }
0x73: {  	[sflag:s20] =	ssyncadd.s32 $0xFFFFD800  }
0x74: {  	[hbm4b:s21+s1] =	stream.linear.scatter [tilespmem:s12], [sflag:$0x6], $0x2800, $0x38;
	[tilespmem:$0x1E428] =	vst v63  }
0x75: {  	_ =	swait.ge [sflag:s11], $0x2800  }
0x76: {  	[sflag:s11] =	ssyncset.done $0x0  }
0x77: {  	[sflag:s11] =	ssyncadd.s32 $0xFFFFD800  }
0x78: {  	[tilespmem:s22], [sflag:$0x7] =	stream.linear.gather [hbm4b:s19+s1], $0x2800, $0x38;
	[tilespmem:$0x1E428] =	vst v63  }
0x79: {  	_ =	swait.ge [sflag:s15], $0x2800  }
0x7a: {  	[sflag:s15] =	ssyncset.done $0x0  }
0x7b: {  	[sflag:s15] =	ssyncadd.s32 $0xFFFFD800  }
0x7c: {  	[tilespmem:s12], [sflag:$0x3] =	stream.indirect.gather [spmem:s2], $0x1, s22, s17, $0xb8;
	[tilespmem:$0x1E428] =	vst v63  }
0x7d: {  	_ =	swait.ge [sflag:s9], $0x2800  }
0x7e: {  	[sflag:s9] =	ssyncset.done $0x0  }
0x7f: {  	[sflag:s9] =	ssyncadd.s32 $0xFFFFD800  }
0x80: {  	[hbm4b:s14+s1] =	stream.linear.scatter [tilespmem:s7], [sflag:$0x4], $0x2800, $0x38;
	[tilespmem:$0x1E428] =	vst v63  }
0x81: {  	_ =	swait.ge [sflag:s5], $0x2800  }
0x82: {  	[sflag:s5] =	ssyncset.done $0x0  }
0x83: {  	[sflag:s5] =	ssyncadd.s32 $0xFFFFD800  }
0x84: {  	[tilespmem:s13], [sflag:$0x7] =	stream.linear.gather [hbm4b:s10+s1], $0x2800, $0x38;
	[tilespmem:$0x1E428] =	vst v63  }
0x85: {  	_ =	swait.ge [sflag:s15], $0x2800  }
0x86: {  	[sflag:s15] =	ssyncset.done $0x0  }
0x87: {  	[sflag:s15] =	ssyncadd.s32 $0xFFFFD800  }
0x88: {  	[tilespmem:s7], [sflag:$0x1] =	stream.indirect.gather [spmem:s2], $0x1, s13, s17, $0xb8;
	[tilespmem:$0x1E428] =	vst v63  }
0x89: {  	_ =	swait.ge [sflag:s18], $0x2800  }
0x8a: {  	[sflag:s18] =	ssyncset.done $0x0  }
0x8b: {  	[sflag:s18] =	ssyncadd.s32 $0xFFFFD800  }
0x8c: {  	[hbm4b:s6+s1] =	stream.linear.scatter [tilespmem:s16], [sflag:$0x5], $0x2800, $0x38;
	[tilespmem:$0x1E428] =	vst v63  }
0x8d: {  	_ =	swait.ge [sflag:s20], $0x2800  }
0x8e: {  	[sflag:s20] =	ssyncset.done $0x0  }
0x8f: {  	[sflag:s20] =	ssyncadd.s32 $0xFFFFD800  }
0x90: {  	[hbm4b:s4+s1] =	stream.linear.scatter [tilespmem:s12], [sflag:$0x6], $0x2800, $0x38;
	[tilespmem:$0x1E428] =	vst v63  }
0x91: {  	_ =	swait.ge [sflag:s9], $0x2800  }
0x92: {  	[sflag:s9] =	ssyncset.done $0x0  }
0x93: {  	[sflag:s9] =	ssyncadd.s32 $0xFFFFD800  }
0x94: {  	[hbm4b:s3+s1] =	stream.linear.scatter [tilespmem:s7], [sflag:$0x4], $0x2800, $0x38;
	[tilespmem:$0x1E428] =	vst v63  }
0x95: {  	_ =	swait.ge [sflag:s8], $0x2800  }
0x96: {  	s31 =	sadd.s32 $0xFFFFFFFF, s31;
	[sflag:s8] =	ssyncset.done $0x0  }
0x97: {  	p2 =	sne.s32 s31, $0x0;
	[sflag:s8] =	ssyncadd.s32 $0xFFFFD800  }
.Ltmp1:
0x98: {  	_ =	swait.ge [sflag:s11], $0x2800;
	(pc) =	sbr.rel @!p2 .LBB2_2-.Ltmp1, $4  }
0x99: {  	[sflag:s11] =	ssyncset.done $0x0  }
0x9a: {  	[sflag:s11] =	ssyncadd.s32 $0xFFFFD800  }
0x9b: {  	_ =	swait.ge [sflag:s5], $0x2800  }
0x9c: {  	p1 =	por $0x1, $0x1;
	s0 =	rddreg [dreg:$0x5];
	[sflag:s5] =	ssyncset.done $0x0  }
.LBB2_3:
0x9d: {  	[sflag:s5] =	ssyncadd.s32 $0xFFFFD800  }
0x9e: {  	[spmem:s28], [sflag:s29] =	dma.local @!p0 [hbm:s0], $0x1E850  }
0x9f: {  	s0 =	rddreg [dreg:$0x6]  }
0xa0: {  	[tilespmem:s13], [sflag:$0x7] =	stream.linear.gather [hbm4b:s0+s1], $0x2800, $0x38;
	[tilespmem:$0x1E428] =	vst v63  }
0xa1: {  	_ =	swait.ge [sflag:s15], $0x2800  }
0xa2: {  	[sflag:s15] =	ssyncset.done $0x0  }
0xa3: {  	s0 =	rddreg [dreg:$0x7];
	[sflag:s15] =	ssyncadd.s32 $0xFFFFD800  }
0xa4: {  	[tilespmem:s26], [sflag:$0x7] =	stream.linear.gather [hbm4b:s0+s1], $0x2800, $0x38;
	[tilespmem:$0x1E428] =	vst v63  }
0xa5: {  	_ =	swait.ge [sflag:s15], $0x2800  }
0xa6: {  	[sflag:s15] =	ssyncset.done $0x0  }
0xa7: {  	s0 =	rddreg [dreg:$0x8];
	[sflag:s15] =	ssyncadd.s32 $0xFFFFD800  }
0xa8: {  	[tilespmem:s22], [sflag:$0x7] =	stream.linear.gather [hbm4b:s0+s1], $0x2800, $0x38;
	[tilespmem:$0x1E428] =	vst v63  }
0xa9: {  	_ =	swait.ge [sflag:s15], $0x2800  }
0xaa: {  	[sflag:s15] =	ssyncset.done $0x0  }
0xab: {  	[sflag:s15] =	ssyncadd.s32 $0xFFFFD800  }
0xac: {  	_ =	swait.ge @!p0 [sflag:s30], $0x1E850  }
0xad: {  	[sflag:s30] =	ssyncset.done @!p0 $0x0  }
0xae: {  	[sflag:s30] =	ssyncadd.s32 @!p0 $0xFFFE17B0  }
0xaf: {  	[bflag:$0x0] =	sbarrier.arrive $0xFFFF  }
0xb0: {  	[tilespmem:s7], [sflag:$0x1] =	stream.indirect.gather [spmem:s2], $0x1, s13, s17, $0xb8;
	[tilespmem:$0x1E428] =	vst v63  }
0xb1: {  	_ = 	snop  }
0xb2: {  	[tilespmem:s16], [sflag:$0x2] =	stream.indirect.gather [spmem:s2], $0x1, s26, s17, $0xb8;
	[tilespmem:$0x1E428] =	vst v63  }
0xb3: {  	_ = 	snop  }
0xb4: {  	[tilespmem:s12], [sflag:$0x3] =	stream.indirect.gather [spmem:s2], $0x1, s22, s17, $0xb8;
	[tilespmem:$0x1E428] =	vst v63  }
0xb5: {  	_ =	swait.ge [sflag:s9], $0x2800  }
0xb6: {  	[sflag:s9] =	ssyncset.done $0x0  }
0xb7: {  	s0 =	rddreg [dreg:$0x9];
	[sflag:s9] =	ssyncadd.s32 $0xFFFFD800  }
0xb8: {  	[hbm4b:s0+s1] =	stream.linear.scatter [tilespmem:s7], [sflag:$0x4], $0x2800, $0x38;
	[tilespmem:$0x1E428] =	vst v63  }
0xb9: {  	_ =	swait.ge [sflag:s5], $0x2800  }
0xba: {  	[sflag:s5] =	ssyncset.done $0x0  }
0xbb: {  	s0 =	rddreg [dreg:$0xa];
	[sflag:s5] =	ssyncadd.s32 $0xFFFFD800  }
0xbc: {  	[tilespmem:s13], [sflag:$0x7] =	stream.linear.gather [hbm4b:s0+s1], $0x2800, $0x38;
	[tilespmem:$0x1E428] =	vst v63  }
0xbd: {  	_ =	swait.ge [sflag:s15], $0x2800  }
0xbe: {  	[sflag:s15] =	ssyncset.done $0x0  }
0xbf: {  	[sflag:s15] =	ssyncadd.s32 $0xFFFFD800  }
0xc0: {  	[tilespmem:s7], [sflag:$0x1] =	stream.indirect.gather [spmem:s2], $0x1, s13, s17, $0xb8;
	[tilespmem:$0x1E428] =	vst v63  }
0xc1: {  	_ =	swait.ge [sflag:s18], $0x2800  }
0xc2: {  	[sflag:s18] =	ssyncset.done $0x0  }
0xc3: {  	s0 =	rddreg [dreg:$0xb];
	[sflag:s18] =	ssyncadd.s32 $0xFFFFD800  }
0xc4: {  	[hbm4b:s0+s1] =	stream.linear.scatter [tilespmem:s16], [sflag:$0x5], $0x2800, $0x38;
	[tilespmem:$0x1E428] =	vst v63  }
0xc5: {  	_ =	swait.ge [sflag:s8], $0x2800  }
0xc6: {  	[sflag:s8] =	ssyncset.done $0x0  }
0xc7: {  	s0 =	rddreg [dreg:$0xc];
	[sflag:s8] =	ssyncadd.s32 $0xFFFFD800  }
0xc8: {  	[tilespmem:s26], [sflag:$0x7] =	stream.linear.gather [hbm4b:s0+s1], $0x2800, $0x38;
	[tilespmem:$0x1E428] =	vst v63  }
0xc9: {  	_ =	swait.ge [sflag:s15], $0x2800  }
0xca: {  	[sflag:s15] =	ssyncset.done $0x0  }
0xcb: {  	[sflag:s15] =	ssyncadd.s32 $0xFFFFD800  }
0xcc: {  	[tilespmem:s16], [sflag:$0x2] =	stream.indirect.gather [spmem:s2], $0x1, s26, s17, $0xb8;
	[tilespmem:$0x1E428] =	vst v63  }
0xcd: {  	_ =	swait.ge [sflag:s20], $0x2800  }
0xce: {  	[sflag:s20] =	ssyncset.done $0x0  }
0xcf: {  	s0 =	rddreg [dreg:$0xd];
	[sflag:s20] =	ssyncadd.s32 $0xFFFFD800  }
0xd0: {  	[hbm4b:s0+s1] =	stream.linear.scatter [tilespmem:s12], [sflag:$0x6], $0x2800, $0x38;
	[tilespmem:$0x1E428] =	vst v63  }
0xd1: {  	_ =	swait.ge [sflag:s11], $0x2800  }
0xd2: {  	[sflag:s11] =	ssyncset.done $0x0  }
0xd3: {  	s0 =	rddreg [dreg:$0xe];
	[sflag:s11] =	ssyncadd.s32 $0xFFFFD800  }
0xd4: {  	[tilespmem:s22], [sflag:$0x7] =	stream.linear.gather [hbm4b:s0+s1], $0x2800, $0x38;
	[tilespmem:$0x1E428] =	vst v63  }
0xd5: {  	_ =	swait.ge [sflag:s15], $0x2800  }
0xd6: {  	[sflag:s15] =	ssyncset.done $0x0  }
0xd7: {  	[sflag:s15] =	ssyncadd.s32 $0xFFFFD800  }
0xd8: {  	[tilespmem:s12], [sflag:$0x3] =	stream.indirect.gather [spmem:s2], $0x1, s22, s17, $0xb8;
	[tilespmem:$0x1E428] =	vst v63  }
0xd9: {  	_ =	swait.ge [sflag:s9], $0x2800  }
0xda: {  	[sflag:s9] =	ssyncset.done $0x0  }
0xdb: {  	s0 =	rddreg [dreg:$0xf];
	[sflag:s9] =	ssyncadd.s32 $0xFFFFD800  }
0xdc: {  	[hbm4b:s0+s1] =	stream.linear.scatter [tilespmem:s7], [sflag:$0x4], $0x2800, $0x38;
	[tilespmem:$0x1E428] =	vst v63  }
0xdd: {  	_ =	swait.ge [sflag:s5], $0x2800  }
0xde: {  	[sflag:s5] =	ssyncset.done $0x0  }
0xdf: {  	[sflag:s5] =	ssyncadd.s32 $0xFFFFD800  }
0xe0: {  	[tilespmem:s13], [sflag:$0x7] =	stream.linear.gather [hbm4b:s25+s1], $0x2800, $0x38;
	[tilespmem:$0x1E428] =	vst v63  }
0xe1: {  	_ =	swait.ge [sflag:s15], $0x2800  }
0xe2: {  	[sflag:s15] =	ssyncset.done $0x0  }
0xe3: {  	[sflag:s15] =	ssyncadd.s32 $0xFFFFD800  }
0xe4: {  	[tilespmem:s7], [sflag:$0x1] =	stream.indirect.gather [spmem:s2], $0x1, s13, s17, $0xb8;
	[tilespmem:$0x1E428] =	vst v63  }
0xe5: {  	_ =	swait.ge [sflag:s18], $0x2800  }
0xe6: {  	[sflag:s18] =	ssyncset.done $0x0  }
0xe7: {  	[sflag:s18] =	ssyncadd.s32 $0xFFFFD800  }
0xe8: {  	[hbm4b:s24+s1] =	stream.linear.scatter [tilespmem:s16], [sflag:$0x5], $0x2800, $0x38;
	[tilespmem:$0x1E428] =	vst v63  }
0xe9: {  	_ =	swait.ge [sflag:s8], $0x2800  }
0xea: {  	[sflag:s8] =	ssyncset.done $0x0  }
0xeb: {  	[sflag:s8] =	ssyncadd.s32 $0xFFFFD800  }
0xec: {  	[tilespmem:s26], [sflag:$0x7] =	stream.linear.gather [hbm4b:s23+s1], $0x2800, $0x38;
	[tilespmem:$0x1E428] =	vst v63  }
0xed: {  	_ =	swait.ge [sflag:s15], $0x2800  }
0xee: {  	[sflag:s15] =	ssyncset.done $0x0  }
0xef: {  	[sflag:s15] =	ssyncadd.s32 $0xFFFFD800  }
0xf0: {  	[tilespmem:s16], [sflag:$0x2] =	stream.indirect.gather [spmem:s2], $0x1, s26, s17, $0xb8;
	[tilespmem:$0x1E428] =	vst v63  }
0xf1: {  	_ =	swait.ge [sflag:s20], $0x2800  }
0xf2: {  	[sflag:s20] =	ssyncset.done $0x0  }
0xf3: {  	[sflag:s20] =	ssyncadd.s32 $0xFFFFD800  }
0xf4: {  	[hbm4b:s21+s1] =	stream.linear.scatter [tilespmem:s12], [sflag:$0x6], $0x2800, $0x38;
	[tilespmem:$0x1E428] =	vst v63  }
0xf5: {  	_ =	swait.ge [sflag:s11], $0x2800  }
0xf6: {  	[sflag:s11] =	ssyncset.done $0x0  }
0xf7: {  	[sflag:s11] =	ssyncadd.s32 $0xFFFFD800  }
0xf8: {  	[tilespmem:s22], [sflag:$0x7] =	stream.linear.gather [hbm4b:s19+s1], $0x2800, $0x38;
	[tilespmem:$0x1E428] =	vst v63  }
0xf9: {  	_ =	swait.ge [sflag:s15], $0x2800  }
0xfa: {  	[sflag:s15] =	ssyncset.done $0x0  }
0xfb: {  	[sflag:s15] =	ssyncadd.s32 $0xFFFFD800  }
0xfc: {  	[tilespmem:s12], [sflag:$0x3] =	stream.indirect.gather [spmem:s2], $0x1, s22, s17, $0xb8;
	[tilespmem:$0x1E428] =	vst v63  }
0xfd: {  	_ =	swait.ge [sflag:s9], $0x2800  }
0xfe: {  	[sflag:s9] =	ssyncset.done $0x0  }
0xff: {  	[sflag:s9] =	ssyncadd.s32 $0xFFFFD800  }
0x100: {  	[hbm4b:s14+s1] =	stream.linear.scatter [tilespmem:s7], [sflag:$0x4], $0x2800, $0x38;
	[tilespmem:$0x1E428] =	vst v63  }
0x101: {  	_ =	swait.ge [sflag:s5], $0x2800  }
0x102: {  	[sflag:s5] =	ssyncset.done $0x0  }
0x103: {  	[sflag:s5] =	ssyncadd.s32 $0xFFFFD800  }
0x104: {  	[tilespmem:s13], [sflag:$0x7] =	stream.linear.gather [hbm4b:s10+s1], $0x2800, $0x38;
	[tilespmem:$0x1E428] =	vst v63  }
0x105: {  	_ =	swait.ge [sflag:s15], $0x2800  }
0x106: {  	[sflag:s15] =	ssyncset.done $0x0  }
0x107: {  	[sflag:s15] =	ssyncadd.s32 $0xFFFFD800  }
0x108: {  	[tilespmem:s7], [sflag:$0x1] =	stream.indirect.gather [spmem:s2], $0x1, s13, s17, $0xb8;
	[tilespmem:$0x1E428] =	vst v63  }
0x109: {  	_ =	swait.ge [sflag:s18], $0x2800  }
0x10a: {  	[sflag:s18] =	ssyncset.done $0x0  }
0x10b: {  	[sflag:s18] =	ssyncadd.s32 $0xFFFFD800  }
0x10c: {  	[hbm4b:s6+s1] =	stream.linear.scatter [tilespmem:s16], [sflag:$0x5], $0x2800, $0x38;
	[tilespmem:$0x1E428] =	vst v63  }
0x10d: {  	_ =	swait.ge [sflag:s20], $0x2800  }
0x10e: {  	[sflag:s20] =	ssyncset.done $0x0  }
0x10f: {  	[sflag:s20] =	ssyncadd.s32 $0xFFFFD800  }
0x110: {  	[hbm4b:s4+s1] =	stream.linear.scatter [tilespmem:s12], [sflag:$0x6], $0x2800, $0x38;
	[tilespmem:$0x1E428] =	vst v63  }
0x111: {  	_ =	swait.ge [sflag:s9], $0x2800  }
0x112: {  	[sflag:s9] =	ssyncset.done $0x0  }
0x113: {  	[sflag:s9] =	ssyncadd.s32 $0xFFFFD800  }
0x114: {  	[hbm4b:s3+s1] =	stream.linear.scatter [tilespmem:s7], [sflag:$0x4], $0x2800, $0x38;
	[tilespmem:$0x1E428] =	vst v63  }
0x115: {  	_ =	swait.ge [sflag:s8], $0x2800  }
0x116: {  	s31 =	sadd.s32 $0xFFFFFFFF, s31;
	[sflag:s8] =	ssyncset.done $0x0  }
0x117: {  	p2 =	sne.s32 s31, $0x0;
	[sflag:s8] =	ssyncadd.s32 $0xFFFFD800  }
.Ltmp2:
0x118: {  	_ =	swait.ge [sflag:s11], $0x2800;
	(pc) =	sbr.rel @p2 .LBB2_3-.Ltmp2, $4  }
0x119: {  	[sflag:s11] =	ssyncset.done $0x0  }
0x11a: {  	[sflag:s11] =	ssyncadd.s32 $0xFFFFD800  }
0x11b: {  	_ =	swait.ge [sflag:s5], $0x2800  }
0x11c: {  	s0 =	rddreg [dreg:$0x5];
	[sflag:s5] =	ssyncset.done $0x0  }
0x11d: {  	s30 =	rddreg [dreg:$0x4]  }
.LBB2_5:
0x11e: {  	[sflag:s5] =	ssyncadd.s32 @p1 $0xFFFFD800;
	s29 =	simm.s32 @!p0 $0x1C01  }
0x11f: {  	[spmem:s28], [sflag:s29] =	dma.local @!p0 [hbm:s0], $0x1E850  }
0x120: {  	s0 =	rddreg [dreg:$0x6]  }
0x121: {  	[tilespmem:s13], [sflag:$0x7] =	stream.linear.gather [hbm4b:s0+s1], $0x2800, $0x38;
	[tilespmem:$0x1E428] =	vst v63  }
0x122: {  	_ =	swait.ge [sflag:s15], $0x2800  }
0x123: {  	[sflag:s15] =	ssyncset.done $0x0  }
0x124: {  	s28 =	rddreg [dreg:$0x7];
	[sflag:s15] =	ssyncadd.s32 $0xFFFFD800  }
0x125: {  	[tilespmem:s26], [sflag:$0x7] =	stream.linear.gather [hbm4b:s28+s1], $0x2800, $0x38;
	[tilespmem:$0x1E428] =	vst v63  }
0x126: {  	_ =	swait.ge [sflag:s15], $0x2800  }
0x127: {  	[sflag:s15] =	ssyncset.done $0x0  }
0x128: {  	s29 =	rddreg [dreg:$0x8];
	[sflag:s15] =	ssyncadd.s32 $0xFFFFD800  }
0x129: {  	[tilespmem:s22], [sflag:$0x7] =	stream.linear.gather [hbm4b:s29+s1], $0x2800, $0x38;
	[tilespmem:$0x1E428] =	vst v63  }
0x12a: {  	_ =	swait.ge [sflag:s15], $0x2800  }
0x12b: {  	[sflag:s15] =	ssyncset.done $0x0  }
0x12c: {  	s0 =	simm.s32 @!p0 $0x1;
	[sflag:s15] =	ssyncadd.s32 $0xFFFFD800  }
0x12d: {  	_ =	swait.ge @!p0 [sflag:s0], $0x1E850  }
0x12e: {  	[sflag:s0] =	ssyncset.done @!p0 $0x0  }
0x12f: {  	[sflag:s0] =	ssyncadd.s32 @!p0 $0xFFFE17B0  }
0x130: {  	[bflag:$0x0] =	sbarrier.arrive $0xFFFF  }
0x131: {  	[tilespmem:s7], [sflag:$0x1] =	stream.indirect.gather [spmem:s2], $0x1, s13, s17, $0xb8;
	[tilespmem:$0x1E428] =	vst v63  }
0x132: {  	_ = 	snop  }
0x133: {  	[tilespmem:s16], [sflag:$0x2] =	stream.indirect.gather [spmem:s2], $0x1, s26, s17, $0xb8;
	[tilespmem:$0x1E428] =	vst v63  }
0x134: {  	_ = 	snop  }
0x135: {  	[tilespmem:s12], [sflag:$0x3] =	stream.indirect.gather [spmem:s2], $0x1, s22, s17, $0xb8;
	[tilespmem:$0x1E428] =	vst v63  }
0x136: {  	_ =	swait.ge [sflag:s9], $0x2800  }
0x137: {  	[sflag:s9] =	ssyncset.done $0x0  }
0x138: {  	s31 =	rddreg [dreg:$0x9];
	[sflag:s9] =	ssyncadd.s32 $0xFFFFD800  }
0x139: {  	[hbm4b:s31+s1] =	stream.linear.scatter [tilespmem:s7], [sflag:$0x4], $0x2800, $0x38;
	[tilespmem:$0x1E428] =	vst v63  }
0x13a: {  	_ =	swait.ge [sflag:s5], $0x2800  }
0x13b: {  	[sflag:s5] =	ssyncset.done $0x0  }
0x13c: {  	s28 =	rddreg [dreg:$0xa];
	[sflag:s5] =	ssyncadd.s32 $0xFFFFD800  }
0x13d: {  	[tilespmem:s13], [sflag:$0x7] =	stream.linear.gather [hbm4b:s28+s1], $0x2800, $0x38;
	[tilespmem:$0x1E428] =	vst v63  }
0x13e: {  	_ =	swait.ge [sflag:s15], $0x2800  }
0x13f: {  	[sflag:s15] =	ssyncset.done $0x0  }
0x140: {  	[sflag:s15] =	ssyncadd.s32 $0xFFFFD800  }
0x141: {  	[tilespmem:s7], [sflag:$0x1] =	stream.indirect.gather [spmem:s2], $0x1, s13, s17, $0xb8;
	[tilespmem:$0x1E428] =	vst v63  }
0x142: {  	_ =	swait.ge [sflag:s18], $0x2800  }
0x143: {  	[sflag:s18] =	ssyncset.done $0x0  }
0x144: {  	s29 =	rddreg [dreg:$0xb];
	[sflag:s18] =	ssyncadd.s32 $0xFFFFD800  }
0x145: {  	[hbm4b:s29+s1] =	stream.linear.scatter [tilespmem:s16], [sflag:$0x5], $0x2800, $0x38;
	[tilespmem:$0x1E428] =	vst v63  }
0x146: {  	_ =	swait.ge [sflag:s8], $0x2800  }
0x147: {  	[sflag:s8] =	ssyncset.done $0x0  }
0x148: {  	s31 =	rddreg [dreg:$0xc];
	[sflag:s8] =	ssyncadd.s32 $0xFFFFD800  }
0x149: {  	[tilespmem:s26], [sflag:$0x7] =	stream.linear.gather [hbm4b:s31+s1], $0x2800, $0x38;
	[tilespmem:$0x1E428] =	vst v63  }
0x14a: {  	_ =	swait.ge [sflag:s15], $0x2800  }
0x14b: {  	[sflag:s15] =	ssyncset.done $0x0  }
0x14c: {  	[sflag:s15] =	ssyncadd.s32 $0xFFFFD800  }
0x14d: {  	[tilespmem:s16], [sflag:$0x2] =	stream.indirect.gather [spmem:s2], $0x1, s26, s17, $0xb8;
	[tilespmem:$0x1E428] =	vst v63  }
0x14e: {  	_ =	swait.ge [sflag:s20], $0x2800  }
0x14f: {  	[sflag:s20] =	ssyncset.done $0x0  }
0x150: {  	s28 =	rddreg [dreg:$0xd];
	[sflag:s20] =	ssyncadd.s32 $0xFFFFD800  }
0x151: {  	[hbm4b:s28+s1] =	stream.linear.scatter [tilespmem:s12], [sflag:$0x6], $0x2800, $0x38;
	[tilespmem:$0x1E428] =	vst v63  }
0x152: {  	_ =	swait.ge [sflag:s11], $0x2800  }
0x153: {  	[sflag:s11] =	ssyncset.done $0x0  }
0x154: {  	s29 =	rddreg [dreg:$0xe];
	[sflag:s11] =	ssyncadd.s32 $0xFFFFD800  }
0x155: {  	[tilespmem:s22], [sflag:$0x7] =	stream.linear.gather [hbm4b:s29+s1], $0x2800, $0x38;
	[tilespmem:$0x1E428] =	vst v63  }
0x156: {  	_ =	swait.ge [sflag:s15], $0x2800  }
0x157: {  	[sflag:s15] =	ssyncset.done $0x0  }
0x158: {  	[sflag:s15] =	ssyncadd.s32 $0xFFFFD800  }
0x159: {  	[tilespmem:s12], [sflag:$0x3] =	stream.indirect.gather [spmem:s2], $0x1, s22, s17, $0xb8;
	[tilespmem:$0x1E428] =	vst v63  }
0x15a: {  	_ =	swait.ge [sflag:s9], $0x2800  }
0x15b: {  	[sflag:s9] =	ssyncset.done $0x0  }
0x15c: {  	s31 =	rddreg [dreg:$0xf];
	[sflag:s9] =	ssyncadd.s32 $0xFFFFD800  }
0x15d: {  	[hbm4b:s31+s1] =	stream.linear.scatter [tilespmem:s7], [sflag:$0x4], $0x2800, $0x38;
	[tilespmem:$0x1E428] =	vst v63  }
0x15e: {  	_ =	swait.ge [sflag:s5], $0x2800  }
0x15f: {  	[sflag:s5] =	ssyncset.done $0x0  }
0x160: {  	[sflag:s5] =	ssyncadd.s32 $0xFFFFD800  }
0x161: {  	[tilespmem:s13], [sflag:$0x7] =	stream.linear.gather [hbm4b:s25+s1], $0x2800, $0x38;
	[tilespmem:$0x1E428] =	vst v63  }
0x162: {  	_ =	swait.ge [sflag:s15], $0x2800  }
0x163: {  	[sflag:s15] =	ssyncset.done $0x0  }
0x164: {  	[sflag:s15] =	ssyncadd.s32 $0xFFFFD800  }
0x165: {  	[tilespmem:s7], [sflag:$0x1] =	stream.indirect.gather [spmem:s2], $0x1, s13, s17, $0xb8;
	[tilespmem:$0x1E428] =	vst v63  }
0x166: {  	_ =	swait.ge [sflag:s18], $0x2800  }
0x167: {  	[sflag:s18] =	ssyncset.done $0x0  }
0x168: {  	[sflag:s18] =	ssyncadd.s32 $0xFFFFD800  }
0x169: {  	[hbm4b:s24+s1] =	stream.linear.scatter [tilespmem:s16], [sflag:$0x5], $0x2800, $0x38;
	[tilespmem:$0x1E428] =	vst v63  }
0x16a: {  	_ =	swait.ge [sflag:s8], $0x2800  }
0x16b: {  	[sflag:s8] =	ssyncset.done $0x0  }
0x16c: {  	[sflag:s8] =	ssyncadd.s32 $0xFFFFD800  }
0x16d: {  	[tilespmem:s26], [sflag:$0x7] =	stream.linear.gather [hbm4b:s23+s1], $0x2800, $0x38;
	[tilespmem:$0x1E428] =	vst v63  }
0x16e: {  	_ =	swait.ge [sflag:s15], $0x2800  }
0x16f: {  	[sflag:s15] =	ssyncset.done $0x0  }
0x170: {  	[sflag:s15] =	ssyncadd.s32 $0xFFFFD800  }
0x171: {  	[tilespmem:s16], [sflag:$0x2] =	stream.indirect.gather [spmem:s2], $0x1, s26, s17, $0xb8;
	[tilespmem:$0x1E428] =	vst v63  }
0x172: {  	_ =	swait.ge [sflag:s20], $0x2800  }
0x173: {  	[sflag:s20] =	ssyncset.done $0x0  }
0x174: {  	[sflag:s20] =	ssyncadd.s32 $0xFFFFD800  }
0x175: {  	[hbm4b:s21+s1] =	stream.linear.scatter [tilespmem:s12], [sflag:$0x6], $0x2800, $0x38;
	[tilespmem:$0x1E428] =	vst v63  }
0x176: {  	_ =	swait.ge [sflag:s11], $0x2800  }
0x177: {  	[sflag:s11] =	ssyncset.done $0x0  }
0x178: {  	[sflag:s11] =	ssyncadd.s32 $0xFFFFD800  }
0x179: {  	[tilespmem:s22], [sflag:$0x7] =	stream.linear.gather [hbm4b:s19+s1], $0x2800, $0x38;
	[tilespmem:$0x1E428] =	vst v63  }
0x17a: {  	_ =	swait.ge [sflag:s15], $0x2800  }
0x17b: {  	[sflag:s15] =	ssyncset.done $0x0  }
0x17c: {  	[sflag:s15] =	ssyncadd.s32 $0xFFFFD800  }
0x17d: {  	[tilespmem:s12], [sflag:$0x3] =	stream.indirect.gather [spmem:s2], $0x1, s22, s17, $0xb8;
	[tilespmem:$0x1E428] =	vst v63  }
0x17e: {  	_ =	swait.ge [sflag:s9], $0x2800  }
0x17f: {  	[sflag:s9] =	ssyncset.done $0x0  }
0x180: {  	[sflag:s9] =	ssyncadd.s32 $0xFFFFD800  }
0x181: {  	[hbm4b:s14+s1] =	stream.linear.scatter [tilespmem:s7], [sflag:$0x4], $0x2800, $0x38;
	[tilespmem:$0x1E428] =	vst v63  }
0x182: {  	_ =	swait.ge [sflag:s5], $0x2800  }
0x183: {  	[sflag:s5] =	ssyncset.done $0x0  }
0x184: {  	[sflag:s5] =	ssyncadd.s32 $0xFFFFD800  }
0x185: {  	[tilespmem:s13], [sflag:$0x7] =	stream.linear.gather [hbm4b:s10+s1], $0x2800, $0x38;
	[tilespmem:$0x1E428] =	vst v63  }
0x186: {  	_ =	swait.ge [sflag:s15], $0x2800  }
0x187: {  	[sflag:s15] =	ssyncset.done $0x0  }
0x188: {  	[sflag:s15] =	ssyncadd.s32 $0xFFFFD800  }
0x189: {  	[tilespmem:s7], [sflag:$0x1] =	stream.indirect.gather [spmem:s2], $0x1, s13, s17, $0xb8;
	[tilespmem:$0x1E428] =	vst v63  }
0x18a: {  	_ =	swait.ge [sflag:s18], $0x2800  }
0x18b: {  	[sflag:s18] =	ssyncset.done $0x0  }
0x18c: {  	[sflag:s18] =	ssyncadd.s32 $0xFFFFD800  }
0x18d: {  	[hbm4b:s6+s1] =	stream.linear.scatter [tilespmem:s16], [sflag:$0x5], $0x2800, $0x38;
	[tilespmem:$0x1E428] =	vst v63  }
0x18e: {  	_ =	swait.ge [sflag:s20], $0x2800  }
0x18f: {  	[sflag:s20] =	ssyncset.done $0x0  }
0x190: {  	[sflag:s20] =	ssyncadd.s32 $0xFFFFD800  }
0x191: {  	[hbm4b:s4+s1] =	stream.linear.scatter [tilespmem:s12], [sflag:$0x6], $0x2800, $0x38;
	[tilespmem:$0x1E428] =	vst v63  }
0x192: {  	_ =	swait.ge [sflag:s9], $0x2800  }
0x193: {  	[sflag:s9] =	ssyncset.done $0x0  }
0x194: {  	[sflag:s9] =	ssyncadd.s32 $0xFFFFD800  }
0x195: {  	[hbm4b:s3+s1] =	stream.linear.scatter [tilespmem:s7], [sflag:$0x4], $0x2800, $0x38;
	[tilespmem:$0x1E428] =	vst v63  }
0x196: {  	_ =	swait.ge [sflag:s8], $0x2800  }
0x197: {  	[sflag:s8] =	ssyncset.done $0x0  }
0x198: {  	[sflag:s8] =	ssyncadd.s32 $0xFFFFD800  }
0x199: {  	_ =	swait.ge [sflag:s11], $0x2800  }
0x19a: {  	[sflag:s11] =	ssyncset.done $0x0  }
0x19b: {  	[sflag:s11] =	ssyncadd.s32 $0xFFFFD800  }
0x19c: {  	_ =	swait.ge [sflag:s5], $0x2800  }
0x19d: {  	[sflag:s5] =	ssyncset.done $0x0  }
0x19e: {  	[sflag:s5] =	ssyncadd.s32 $0xFFFFD800  }
0x19f: {  	_ =	sfence.sel $0x180000  }
0x1a0: {  	[bflag:$0x0] =	sbarrier.arrive $0xFFFF  }
0x1a1: {  	_ =	strace $0x90000047  }
0x1a2: {  	s0 =	sadd.s32 @!p0 $0x100000, s30;
	[bflag:$0x2] =	sbarrier.arrive $0xFFFF  }
0x1a3: {  	[sflag:s0] =	ssyncadd.tile.s32 @!p0 $0x1;
	_ =	shalt  }
.LBB2_2:
.Ltmp3:
0x1a4: {  	(pc) =	sbr.rel .LBB2_5-.Ltmp3, $2  }
0x1a5: {  	_ =	sdelay $0x2  }
0x1a6: {  	s30 =	rddreg [dreg:$0x4]  }
.Lfunc_end2:
_tile_overlayer_lowered:
.L_overlay_start_2:
0x1a7: {  	(tag) =	ssettag $0x2  }
0x1a8: {  	s0 =	rddreg [dreg:$0x0];
	s2 =	stileid.u32  }
0x1a9: {  	s1 =	rddreg [dreg:$0x1];
	p0 =	sne.s32 s2, $0x0  }
0x1aa: {  	s3 =	rddreg [dreg:$0x2];
	[bflag:$0x3] =	sbarrier.arrive $0xFFFF;
	s2 =	simm.s32 @!p0 $0x1C07  }
0x1ab: {  	[timem:s3], [sflag:s2] =	dma.local @!p0 [hbm:s0], s1  }
0x1ac: {  	s0 =	simm.s32 @!p0 $0x7  }
0x1ad: {  	_ =	swait.ge @!p0 [sflag:s0], s1  }
0x1ae: {  	s1 =	ssub.s32 @!p0 $0x0, s1;
	[sflag:s0] =	ssyncset.done @!p0 $0x0  }
0x1af: {  	[sflag:s0] =	ssyncadd.s32 @!p0 s1  }
0x1b0: {  	[bflag:$0x3] =	sbarrier.arrive $0xFFFF  }
0x1b1: {  	_ =	shalt  }

</sc_bundles>
